<compile_context>
chip_gen: v7x
topology: tpu7x:2x2x1
jax: 0.10.2.dev20260603
libtpu: 0.0.44.dev20260713+nightly
codegen_flags: <defaults>
</compile_context>

<pallas_src>
import functools

import jax
import jax.numpy as jnp
from jax import lax
from jax.experimental import pallas as pl
from jax.experimental.pallas import tpu as pltpu
from jax.experimental.pallas import tpu_sc as plsc

B, P, L = 1024, 50, 20
BUCKETS, D = 4096, 64
BP = B * P
NW = 32
PPW = BP // NW
C = 16
NCHUNK = PPW // C
IPC = C * L
G = 64
NG = IPC // G


def _sc_embed(ids1, ids2, ids3, maskf, emb_1, emb_2, emb_3):
    mesh = plsc.VectorSubcoreMesh(core_axis_name="c", subcore_axis_name="s")

    @functools.partial(
        pl.kernel,
        mesh=mesh,
        out_type=jax.ShapeDtypeStruct((BP, D), jnp.float32),
        compiler_params=pltpu.CompilerParams(use_tc_tiling_on_sc=False),
        scratch_types=[
            pltpu.VMEM((IPC,), jnp.int32),
            pltpu.VMEM((IPC,), jnp.int32),
            pltpu.VMEM((IPC,), jnp.int32),
            pltpu.VMEM((IPC, D), jnp.float32),
            pltpu.VMEM((IPC, D), jnp.float32),
            pltpu.VMEM((IPC, D), jnp.float32),
            pltpu.VMEM((C, D), jnp.float32),
            pltpu.VMEM((C,), jnp.float32),
            pltpu.SemaphoreType.DMA,
        ],
    )
    def k(ids1_hbm, ids2_hbm, ids3_hbm, mask_hbm, t1, t2, t3, out_hbm,
          idx1_v, idx2_v, idx3_v, rows1, rows2, rows3, outv, maskv, sem):
        wid = lax.axis_index("s") * 2 + lax.axis_index("c")
        base0 = wid * PPW

        def chunk_body(ci, _):
            pbase = base0 + ci * C
            pltpu.sync_copy(ids1_hbm.at[pl.ds(pbase * L, IPC)], idx1_v)
            pltpu.sync_copy(ids2_hbm.at[pl.ds(pbase * L, IPC)], idx2_v)
            pltpu.sync_copy(ids3_hbm.at[pl.ds(pbase * L, IPC)], idx3_v)
            pltpu.sync_copy(mask_hbm.at[pl.ds(pbase, C)], maskv)
            cps = []
            for g in range(NG):
                sl = pl.ds(g * G, G)
                cps.append(pltpu.async_copy(t1.at[idx1_v.at[sl]], rows1.at[sl], sem))
                cps.append(pltpu.async_copy(t2.at[idx2_v.at[sl]], rows2.at[sl], sem))
                cps.append(pltpu.async_copy(t3.at[idx3_v.at[sl]], rows3.at[sl], sem))
            for cp in cps:
                cp.wait()

            def patch_body(i, carry):
                rbase = i * L

                def l_body(l, accs):
                    r = rbase + l
                    a0, a1, a2, a3 = accs
                    for rows in (rows1, rows2, rows3):
                        a0 = a0 + rows[r, pl.ds(0, 16)]
                        a1 = a1 + rows[r, pl.ds(16, 16)]
                        a2 = a2 + rows[r, pl.ds(32, 16)]
                        a3 = a3 + rows[r, pl.ds(48, 16)]
                    return (a0, a1, a2, a3)

                z = jnp.zeros((16,), jnp.float32)
                a0, a1, a2, a3 = lax.fori_loop(0, L, l_body, (z, z, z, z))
                m = lax.gather(
                    maskv[...], jnp.full((16, 1), i, jnp.int32),
                    dimension_numbers=lax.GatherDimensionNumbers(
                        offset_dims=(), collapsed_slice_dims=(0,),
                        start_index_map=(0,)),
                    slice_sizes=(1,),
                    mode=lax.GatherScatterMode.PROMISE_IN_BOUNDS)
                outv[i, pl.ds(0, 16)] = a0 * m
                outv[i, pl.ds(16, 16)] = a1 * m
                outv[i, pl.ds(32, 16)] = a2 * m
                outv[i, pl.ds(48, 16)] = a3 * m
                return 0

            lax.fori_loop(0, C, patch_body, 0)
            pltpu.sync_copy(outv, out_hbm.at[pl.ds(pbase, C)])
            return 0

        lax.fori_loop(0, NCHUNK, chunk_body, 0)

    return k(ids1, ids2, ids3, maskf, emb_1, emb_2, emb_3)


def kernel(ids_1, ids_2, ids_3, patch_mask, emb_1, emb_2, emb_3):
    ids1 = ids_1.reshape(BP * L)
    ids2 = ids_2.reshape(BP * L)
    ids3 = ids_3.reshape(BP * L)
    maskf = patch_mask.reshape(BP).astype(jnp.float32)
    out = _sc_embed(ids1, ids2, ids3, maskf, emb_1, emb_2, emb_3)
    return out.reshape(B, P, D)

# --- scband reference (transcript-rebuilt; emitter-appended) ---
"""Pipeline reference for scband-patch-embedder-69269232550118 (READ-ONLY COPY).

The authoritative reference and input builder live on the scoring server;
editing this copy changes nothing except your own understanding.
"""

import jax, jax.numpy as jnp
import numpy as np

B, P, L = 1024, 50, 20
BUCKETS, D = 4096, 64

def setup_inputs(seed: int = 0) -> dict:
    key = jax.random.key(seed)
    k1, k2, k3, k4, k5, k6 = jax.random.split(key, 6)
    ids_1 = jax.random.randint(k1, (B, P, L), 0, BUCKETS, dtype=jnp.int32)
    ids_2 = jax.random.randint(k2, (B, P, L), 0, BUCKETS, dtype=jnp.int32)
    ids_3 = jax.random.randint(k3, (B, P, L), 0, BUCKETS, dtype=jnp.int32)
    patch_mask = jnp.ones((B, P), dtype=bool)
    emb_1 = jax.random.normal(k4, (BUCKETS, D), dtype=jnp.float32) * 0.02
    emb_2 = jax.random.normal(k5, (BUCKETS, D), dtype=jnp.float32) * 0.02
    emb_3 = jax.random.normal(k6, (BUCKETS, D), dtype=jnp.float32) * 0.02
    return {"ids_1": ids_1, "ids_2": ids_2, "ids_3": ids_3,
            "patch_mask": patch_mask,
            "emb_1": emb_1, "emb_2": emb_2, "emb_3": emb_3}


def reference(ids_1, ids_2, ids_3, patch_mask, emb_1, emb_2, emb_3):
    # For each patch: embedding = sum over ngram tables of sum over bucket ids of Emb_n[id]
    out = jnp.take(emb_1, ids_1, axis=0).sum(axis=2)
    out = out + jnp.take(emb_2, ids_2, axis=0).sum(axis=2)
    out = out + jnp.take(emb_3, ids_3, axis=0).sum(axis=2)
    # patches with mask == False contribute zeros (torch version never writes them)
    out = out * patch_mask[..., None].astype(out.dtype)
    return out

if __name__ == "__main__":
    import jax
    _d = setup_inputs()
    print(jax.jit(kernel)(*tuple(_d.values())))

</pallas_src>

<mosaic_0001>
#map = affine_map<(d0, d1) -> (0)>
#map1 = affine_map<(d0, d1) -> (0, 0)>
module attributes {stable_mosaic.version = 14 : i64} {
  func.func @k(%arg0: i32, %arg1: i32, %arg2: memref<1024000xi32, #tpu.memory_space<hbm>>, %arg3: memref<1024000xi32, #tpu.memory_space<hbm>>, %arg4: memref<1024000xi32, #tpu.memory_space<hbm>>, %arg5: memref<51200xf32, #tpu.memory_space<hbm>>, %arg6: memref<4096x64xf32, #tpu.memory_space<hbm>>, %arg7: memref<4096x64xf32, #tpu.memory_space<hbm>>, %arg8: memref<4096x64xf32, #tpu.memory_space<hbm>>, %arg9: memref<51200x64xf32, #tpu.memory_space<hbm>>, %arg10: memref<320xi32, #tpu.memory_space<vmem>>, %arg11: memref<320xi32, #tpu.memory_space<vmem>>, %arg12: memref<320xi32, #tpu.memory_space<vmem>>, %arg13: memref<320x64xf32, #tpu.memory_space<vmem>>, %arg14: memref<320x64xf32, #tpu.memory_space<vmem>>, %arg15: memref<320x64xf32, #tpu.memory_space<vmem>>, %arg16: memref<16x64xf32, #tpu.memory_space<vmem>>, %arg17: memref<16xf32, #tpu.memory_space<vmem>>, %arg18: memref<!tpu.dma_semaphore, #tpu.memory_space<semaphore_mem>>) attributes {dimension_semantics = [#tpu.dimension_semantics<core_parallel>, #tpu.dimension_semantics<subcore_parallel>], iteration_bounds = array<i64: 2, 16>, scalar_prefetch = 0 : i64, scratch_operands = 9 : i64, tpu.core_type = #tpu.core_type<sc_vector_subcore>, window_params = [{transform_indices = #map}, {transform_indices = #map}, {transform_indices = #map}, {transform_indices = #map}, {transform_indices = #map1}, {transform_indices = #map1}, {transform_indices = #map1}, {transform_indices = #map1}]} {
    %mul3A = arith.constant 2 : i32
    %mul3A_0 = arith.muli %arg1, %mul3A : i32
    %add3A = arith.addi %mul3A_0, %arg0 : i32
    %mul3A_1 = arith.constant 1600 : i32
    %mul3A_2 = arith.muli %add3A, %mul3A_1 : i32
    %scan3A = arith.constant 0 : i32
    %scan3A_3 = arith.constant 0 : i32
    %scan3A_4 = arith.constant 100 : i32
    %scan3A_5 = arith.addi %scan3A_3, %scan3A_4 : i32
    %scan3A_6 = arith.constant 1 : i32
    %scan3A_7 = scf.for %scan3A_9 = %scan3A_3 to %scan3A_5 step %scan3A_6 iter_args(%scan3A_10 = %scan3A) -> (i32)  : i32 {
      %mul3A_11 = arith.constant 16 : i32
      %mul3A_12 = arith.muli %scan3A_9, %mul3A_11 : i32
      %add3A_13 = arith.addi %mul3A_2, %mul3A_12 : i32
      %mul3A_14 = arith.constant 20 : i32
      %mul3A_15 = arith.muli %add3A_13, %mul3A_14 : i32
      "tpu.region"() ({
        %run_scoped3A = tpu.sem_alloc : memref<!tpu.dma_semaphore, #tpu.memory_space<semaphore_mem>>
        %dma_start3A_266 = tpu.memref_slice %arg2[%mul3A_15] : memref<1024000xi32, #tpu.memory_space<hbm>> -> memref<320xi32, #tpu.memory_space<hbm>>
        %dma_start3A_267 = tpu.memref_slice %arg2[%mul3A_15] : memref<1024000xi32, #tpu.memory_space<hbm>> -> memref<320xi32, #tpu.memory_space<hbm>>
        tpu.enqueue_dma source(%dma_start3A_267 : memref<320xi32, #tpu.memory_space<hbm>>) target(%arg10 : memref<320xi32, #tpu.memory_space<vmem>>) target_semaphore(%run_scoped3A : memref<!tpu.dma_semaphore, #tpu.memory_space<semaphore_mem>>)
        %dma_wait3A_268 = tpu.memref_slice %arg2[%mul3A_15] : memref<1024000xi32, #tpu.memory_space<hbm>> -> memref<320xi32, #tpu.memory_space<hbm>>
        %dma_wait3A_269 = tpu.memref_slice %arg2[%mul3A_15] : memref<1024000xi32, #tpu.memory_space<hbm>> -> memref<320xi32, #tpu.memory_space<hbm>>
        tpu.wait_dma2 semaphore(%run_scoped3A : memref<!tpu.dma_semaphore, #tpu.memory_space<semaphore_mem>>) src(%dma_wait3A_269 : memref<320xi32, #tpu.memory_space<hbm>>) dst(%arg10 : memref<320xi32, #tpu.memory_space<vmem>>)
        tpu.yield
      }) : () -> ()
      %mul3A_16 = arith.constant 20 : i32
      %mul3A_17 = arith.muli %add3A_13, %mul3A_16 : i32
      "tpu.region"() ({
        %run_scoped3A = tpu.sem_alloc : memref<!tpu.dma_semaphore, #tpu.memory_space<semaphore_mem>>
        %dma_start3A_266 = tpu.memref_slice %arg3[%mul3A_17] : memref<1024000xi32, #tpu.memory_space<hbm>> -> memref<320xi32, #tpu.memory_space<hbm>>
        %dma_start3A_267 = tpu.memref_slice %arg3[%mul3A_17] : memref<1024000xi32, #tpu.memory_space<hbm>> -> memref<320xi32, #tpu.memory_space<hbm>>
        tpu.enqueue_dma source(%dma_start3A_267 : memref<320xi32, #tpu.memory_space<hbm>>) target(%arg11 : memref<320xi32, #tpu.memory_space<vmem>>) target_semaphore(%run_scoped3A : memref<!tpu.dma_semaphore, #tpu.memory_space<semaphore_mem>>)
        %dma_wait3A_268 = tpu.memref_slice %arg3[%mul3A_17] : memref<1024000xi32, #tpu.memory_space<hbm>> -> memref<320xi32, #tpu.memory_space<hbm>>
        %dma_wait3A_269 = tpu.memref_slice %arg3[%mul3A_17] : memref<1024000xi32, #tpu.memory_space<hbm>> -> memref<320xi32, #tpu.memory_space<hbm>>
        tpu.wait_dma2 semaphore(%run_scoped3A : memref<!tpu.dma_semaphore, #tpu.memory_space<semaphore_mem>>) src(%dma_wait3A_269 : memref<320xi32, #tpu.memory_space<hbm>>) dst(%arg11 : memref<320xi32, #tpu.memory_space<vmem>>)
        tpu.yield
      }) : () -> ()
      %mul3A_18 = arith.constant 20 : i32
      %mul3A_19 = arith.muli %add3A_13, %mul3A_18 : i32
      "tpu.region"() ({
        %run_scoped3A = tpu.sem_alloc : memref<!tpu.dma_semaphore, #tpu.memory_space<semaphore_mem>>
        %dma_start3A_266 = tpu.memref_slice %arg4[%mul3A_19] : memref<1024000xi32, #tpu.memory_space<hbm>> -> memref<320xi32, #tpu.memory_space<hbm>>
        %dma_start3A_267 = tpu.memref_slice %arg4[%mul3A_19] : memref<1024000xi32, #tpu.memory_space<hbm>> -> memref<320xi32, #tpu.memory_space<hbm>>
        tpu.enqueue_dma source(%dma_start3A_267 : memref<320xi32, #tpu.memory_space<hbm>>) target(%arg12 : memref<320xi32, #tpu.memory_space<vmem>>) target_semaphore(%run_scoped3A : memref<!tpu.dma_semaphore, #tpu.memory_space<semaphore_mem>>)
        %dma_wait3A_268 = tpu.memref_slice %arg4[%mul3A_19] : memref<1024000xi32, #tpu.memory_space<hbm>> -> memref<320xi32, #tpu.memory_space<hbm>>
        %dma_wait3A_269 = tpu.memref_slice %arg4[%mul3A_19] : memref<1024000xi32, #tpu.memory_space<hbm>> -> memref<320xi32, #tpu.memory_space<hbm>>
        tpu.wait_dma2 semaphore(%run_scoped3A : memref<!tpu.dma_semaphore, #tpu.memory_space<semaphore_mem>>) src(%dma_wait3A_269 : memref<320xi32, #tpu.memory_space<hbm>>) dst(%arg12 : memref<320xi32, #tpu.memory_space<vmem>>)
        tpu.yield
      }) : () -> ()
      "tpu.region"() ({
        %run_scoped3A = tpu.sem_alloc : memref<!tpu.dma_semaphore, #tpu.memory_space<semaphore_mem>>
        %dma_start3A_266 = tpu.memref_slice %arg5[%add3A_13] : memref<51200xf32, #tpu.memory_space<hbm>> -> memref<16xf32, #tpu.memory_space<hbm>>
        %dma_start3A_267 = tpu.memref_slice %arg5[%add3A_13] : memref<51200xf32, #tpu.memory_space<hbm>> -> memref<16xf32, #tpu.memory_space<hbm>>
        tpu.enqueue_dma source(%dma_start3A_267 : memref<16xf32, #tpu.memory_space<hbm>>) target(%arg17 : memref<16xf32, #tpu.memory_space<vmem>>) target_semaphore(%run_scoped3A : memref<!tpu.dma_semaphore, #tpu.memory_space<semaphore_mem>>)
        %dma_wait3A_268 = tpu.memref_slice %arg5[%add3A_13] : memref<51200xf32, #tpu.memory_space<hbm>> -> memref<16xf32, #tpu.memory_space<hbm>>
        %dma_wait3A_269 = tpu.memref_slice %arg5[%add3A_13] : memref<51200xf32, #tpu.memory_space<hbm>> -> memref<16xf32, #tpu.memory_space<hbm>>
        tpu.wait_dma2 semaphore(%run_scoped3A : memref<!tpu.dma_semaphore, #tpu.memory_space<semaphore_mem>>) src(%dma_wait3A_269 : memref<16xf32, #tpu.memory_space<hbm>>) dst(%arg17 : memref<16xf32, #tpu.memory_space<vmem>>)
        tpu.yield
      }) : () -> ()
      %dma_start3A = arith.constant 0 : i32
      %dma_start3A_20 = arith.constant 0 : i32
      %dma_start3A_21 = tpu.memref_slice %arg13[%dma_start3A, %dma_start3A_20] : memref<320x64xf32, #tpu.memory_space<vmem>> -> memref<64x64xf32, #tpu.memory_space<vmem>>
      %dma_start3A_22 = arith.constant 0 : i32
      %dma_start3A_23 = tpu.memref_slice %arg10[%dma_start3A_22] : memref<320xi32, #tpu.memory_space<vmem>> -> memref<64xi32, #tpu.memory_space<vmem>>
      %dma_start3A_24 = arith.constant 0 : i32
      %dma_start3A_25 = arith.constant 0 : i32
      %dma_start3A_26 = tpu.memref_slice %arg6[%dma_start3A_24, %dma_start3A_25] : memref<4096x64xf32, #tpu.memory_space<hbm>> -> memref<4096x64xf32, #tpu.memory_space<hbm>>
      tpu.enqueue_indirect_dma source(%dma_start3A_26 : memref<4096x64xf32, #tpu.memory_space<hbm>>) target(%dma_start3A_21 : memref<64x64xf32, #tpu.memory_space<vmem>>) offsets(%dma_start3A_23 : memref<64xi32, #tpu.memory_space<vmem>>) semaphore(%arg18 : memref<!tpu.dma_semaphore, #tpu.memory_space<semaphore_mem>>)
      %dma_start3A_27 = arith.constant 0 : i32
      %dma_start3A_28 = arith.constant 0 : i32
      %dma_start3A_29 = tpu.memref_slice %arg14[%dma_start3A_27, %dma_start3A_28] : memref<320x64xf32, #tpu.memory_space<vmem>> -> memref<64x64xf32, #tpu.memory_space<vmem>>
      %dma_start3A_30 = arith.constant 0 : i32
      %dma_start3A_31 = tpu.memref_slice %arg11[%dma_start3A_30] : memref<320xi32, #tpu.memory_space<vmem>> -> memref<64xi32, #tpu.memory_space<vmem>>
      %dma_start3A_32 = arith.constant 0 : i32
      %dma_start3A_33 = arith.constant 0 : i32
      %dma_start3A_34 = tpu.memref_slice %arg7[%dma_start3A_32, %dma_start3A_33] : memref<4096x64xf32, #tpu.memory_space<hbm>> -> memref<4096x64xf32, #tpu.memory_space<hbm>>
      tpu.enqueue_indirect_dma source(%dma_start3A_34 : memref<4096x64xf32, #tpu.memory_space<hbm>>) target(%dma_start3A_29 : memref<64x64xf32, #tpu.memory_space<vmem>>) offsets(%dma_start3A_31 : memref<64xi32, #tpu.memory_space<vmem>>) semaphore(%arg18 : memref<!tpu.dma_semaphore, #tpu.memory_space<semaphore_mem>>)
      %dma_start3A_35 = arith.constant 0 : i32
      %dma_start3A_36 = arith.constant 0 : i32
      %dma_start3A_37 = tpu.memref_slice %arg15[%dma_start3A_35, %dma_start3A_36] : memref<320x64xf32, #tpu.memory_space<vmem>> -> memref<64x64xf32, #tpu.memory_space<vmem>>
      %dma_start3A_38 = arith.constant 0 : i32
      %dma_start3A_39 = tpu.memref_slice %arg12[%dma_start3A_38] : memref<320xi32, #tpu.memory_space<vmem>> -> memref<64xi32, #tpu.memory_space<vmem>>
      %dma_start3A_40 = arith.constant 0 : i32
      %dma_start3A_41 = arith.constant 0 : i32
      %dma_start3A_42 = tpu.memref_slice %arg8[%dma_start3A_40, %dma_start3A_41] : memref<4096x64xf32, #tpu.memory_space<hbm>> -> memref<4096x64xf32, #tpu.memory_space<hbm>>
      tpu.enqueue_indirect_dma source(%dma_start3A_42 : memref<4096x64xf32, #tpu.memory_space<hbm>>) target(%dma_start3A_37 : memref<64x64xf32, #tpu.memory_space<vmem>>) offsets(%dma_start3A_39 : memref<64xi32, #tpu.memory_space<vmem>>) semaphore(%arg18 : memref<!tpu.dma_semaphore, #tpu.memory_space<semaphore_mem>>)
      %dma_start3A_43 = arith.constant 64 : i32
      %dma_start3A_44 = arith.constant 0 : i32
      %dma_start3A_45 = tpu.memref_slice %arg13[%dma_start3A_43, %dma_start3A_44] : memref<320x64xf32, #tpu.memory_space<vmem>> -> memref<64x64xf32, #tpu.memory_space<vmem>>
      %dma_start3A_46 = arith.constant 64 : i32
      %dma_start3A_47 = tpu.memref_slice %arg10[%dma_start3A_46] : memref<320xi32, #tpu.memory_space<vmem>> -> memref<64xi32, #tpu.memory_space<vmem>>
      %dma_start3A_48 = arith.constant 0 : i32
      %dma_start3A_49 = arith.constant 0 : i32
      %dma_start3A_50 = tpu.memref_slice %arg6[%dma_start3A_48, %dma_start3A_49] : memref<4096x64xf32, #tpu.memory_space<hbm>> -> memref<4096x64xf32, #tpu.memory_space<hbm>>
      tpu.enqueue_indirect_dma source(%dma_start3A_50 : memref<4096x64xf32, #tpu.memory_space<hbm>>) target(%dma_start3A_45 : memref<64x64xf32, #tpu.memory_space<vmem>>) offsets(%dma_start3A_47 : memref<64xi32, #tpu.memory_space<vmem>>) semaphore(%arg18 : memref<!tpu.dma_semaphore, #tpu.memory_space<semaphore_mem>>)
      %dma_start3A_51 = arith.constant 64 : i32
      %dma_start3A_52 = arith.constant 0 : i32
      %dma_start3A_53 = tpu.memref_slice %arg14[%dma_start3A_51, %dma_start3A_52] : memref<320x64xf32, #tpu.memory_space<vmem>> -> memref<64x64xf32, #tpu.memory_space<vmem>>
      %dma_start3A_54 = arith.constant 64 : i32
      %dma_start3A_55 = tpu.memref_slice %arg11[%dma_start3A_54] : memref<320xi32, #tpu.memory_space<vmem>> -> memref<64xi32, #tpu.memory_space<vmem>>
      %dma_start3A_56 = arith.constant 0 : i32
      %dma_start3A_57 = arith.constant 0 : i32
      %dma_start3A_58 = tpu.memref_slice %arg7[%dma_start3A_56, %dma_start3A_57] : memref<4096x64xf32, #tpu.memory_space<hbm>> -> memref<4096x64xf32, #tpu.memory_space<hbm>>
      tpu.enqueue_indirect_dma source(%dma_start3A_58 : memref<4096x64xf32, #tpu.memory_space<hbm>>) target(%dma_start3A_53 : memref<64x64xf32, #tpu.memory_space<vmem>>) offsets(%dma_start3A_55 : memref<64xi32, #tpu.memory_space<vmem>>) semaphore(%arg18 : memref<!tpu.dma_semaphore, #tpu.memory_space<semaphore_mem>>)
      %dma_start3A_59 = arith.constant 64 : i32
      %dma_start3A_60 = arith.constant 0 : i32
      %dma_start3A_61 = tpu.memref_slice %arg15[%dma_start3A_59, %dma_start3A_60] : memref<320x64xf32, #tpu.memory_space<vmem>> -> memref<64x64xf32, #tpu.memory_space<vmem>>
      %dma_start3A_62 = arith.constant 64 : i32
      %dma_start3A_63 = tpu.memref_slice %arg12[%dma_start3A_62] : memref<320xi32, #tpu.memory_space<vmem>> -> memref<64xi32, #tpu.memory_space<vmem>>
      %dma_start3A_64 = arith.constant 0 : i32
      %dma_start3A_65 = arith.constant 0 : i32
      %dma_start3A_66 = tpu.memref_slice %arg8[%dma_start3A_64, %dma_start3A_65] : memref<4096x64xf32, #tpu.memory_space<hbm>> -> memref<4096x64xf32, #tpu.memory_space<hbm>>
      tpu.enqueue_indirect_dma source(%dma_start3A_66 : memref<4096x64xf32, #tpu.memory_space<hbm>>) target(%dma_start3A_61 : memref<64x64xf32, #tpu.memory_space<vmem>>) offsets(%dma_start3A_63 : memref<64xi32, #tpu.memory_space<vmem>>) semaphore(%arg18 : memref<!tpu.dma_semaphore, #tpu.memory_space<semaphore_mem>>)
      %dma_start3A_67 = arith.constant 128 : i32
      %dma_start3A_68 = arith.constant 0 : i32
      %dma_start3A_69 = tpu.memref_slice %arg13[%dma_start3A_67, %dma_start3A_68] : memref<320x64xf32, #tpu.memory_space<vmem>> -> memref<64x64xf32, #tpu.memory_space<vmem>>
      %dma_start3A_70 = arith.constant 128 : i32
      %dma_start3A_71 = tpu.memref_slice %arg10[%dma_start3A_70] : memref<320xi32, #tpu.memory_space<vmem>> -> memref<64xi32, #tpu.memory_space<vmem>>
      %dma_start3A_72 = arith.constant 0 : i32
      %dma_start3A_73 = arith.constant 0 : i32
      %dma_start3A_74 = tpu.memref_slice %arg6[%dma_start3A_72, %dma_start3A_73] : memref<4096x64xf32, #tpu.memory_space<hbm>> -> memref<4096x64xf32, #tpu.memory_space<hbm>>
      tpu.enqueue_indirect_dma source(%dma_start3A_74 : memref<4096x64xf32, #tpu.memory_space<hbm>>) target(%dma_start3A_69 : memref<64x64xf32, #tpu.memory_space<vmem>>) offsets(%dma_start3A_71 : memref<64xi32, #tpu.memory_space<vmem>>) semaphore(%arg18 : memref<!tpu.dma_semaphore, #tpu.memory_space<semaphore_mem>>)
      %dma_start3A_75 = arith.constant 128 : i32
      %dma_start3A_76 = arith.constant 0 : i32
      %dma_start3A_77 = tpu.memref_slice %arg14[%dma_start3A_75, %dma_start3A_76] : memref<320x64xf32, #tpu.memory_space<vmem>> -> memref<64x64xf32, #tpu.memory_space<vmem>>
      %dma_start3A_78 = arith.constant 128 : i32
      %dma_start3A_79 = tpu.memref_slice %arg11[%dma_start3A_78] : memref<320xi32, #tpu.memory_space<vmem>> -> memref<64xi32, #tpu.memory_space<vmem>>
      %dma_start3A_80 = arith.constant 0 : i32
      %dma_start3A_81 = arith.constant 0 : i32
      %dma_start3A_82 = tpu.memref_slice %arg7[%dma_start3A_80, %dma_start3A_81] : memref<4096x64xf32, #tpu.memory_space<hbm>> -> memref<4096x64xf32, #tpu.memory_space<hbm>>
      tpu.enqueue_indirect_dma source(%dma_start3A_82 : memref<4096x64xf32, #tpu.memory_space<hbm>>) target(%dma_start3A_77 : memref<64x64xf32, #tpu.memory_space<vmem>>) offsets(%dma_start3A_79 : memref<64xi32, #tpu.memory_space<vmem>>) semaphore(%arg18 : memref<!tpu.dma_semaphore, #tpu.memory_space<semaphore_mem>>)
      %dma_start3A_83 = arith.constant 128 : i32
      %dma_start3A_84 = arith.constant 0 : i32
      %dma_start3A_85 = tpu.memref_slice %arg15[%dma_start3A_83, %dma_start3A_84] : memref<320x64xf32, #tpu.memory_space<vmem>> -> memref<64x64xf32, #tpu.memory_space<vmem>>
      %dma_start3A_86 = arith.constant 128 : i32
      %dma_start3A_87 = tpu.memref_slice %arg12[%dma_start3A_86] : memref<320xi32, #tpu.memory_space<vmem>> -> memref<64xi32, #tpu.memory_space<vmem>>
      %dma_start3A_88 = arith.constant 0 : i32
      %dma_start3A_89 = arith.constant 0 : i32
      %dma_start3A_90 = tpu.memref_slice %arg8[%dma_start3A_88, %dma_start3A_89] : memref<4096x64xf32, #tpu.memory_space<hbm>> -> memref<4096x64xf32, #tpu.memory_space<hbm>>
      tpu.enqueue_indirect_dma source(%dma_start3A_90 : memref<4096x64xf32, #tpu.memory_space<hbm>>) target(%dma_start3A_85 : memref<64x64xf32, #tpu.memory_space<vmem>>) offsets(%dma_start3A_87 : memref<64xi32, #tpu.memory_space<vmem>>) semaphore(%arg18 : memref<!tpu.dma_semaphore, #tpu.memory_space<semaphore_mem>>)
      %dma_start3A_91 = arith.constant 192 : i32
      %dma_start3A_92 = arith.constant 0 : i32
      %dma_start3A_93 = tpu.memref_slice %arg13[%dma_start3A_91, %dma_start3A_92] : memref<320x64xf32, #tpu.memory_space<vmem>> -> memref<64x64xf32, #tpu.memory_space<vmem>>
      %dma_start3A_94 = arith.constant 192 : i32
      %dma_start3A_95 = tpu.memref_slice %arg10[%dma_start3A_94] : memref<320xi32, #tpu.memory_space<vmem>> -> memref<64xi32, #tpu.memory_space<vmem>>
      %dma_start3A_96 = arith.constant 0 : i32
      %dma_start3A_97 = arith.constant 0 : i32
      %dma_start3A_98 = tpu.memref_slice %arg6[%dma_start3A_96, %dma_start3A_97] : memref<4096x64xf32, #tpu.memory_space<hbm>> -> memref<4096x64xf32, #tpu.memory_space<hbm>>
      tpu.enqueue_indirect_dma source(%dma_start3A_98 : memref<4096x64xf32, #tpu.memory_space<hbm>>) target(%dma_start3A_93 : memref<64x64xf32, #tpu.memory_space<vmem>>) offsets(%dma_start3A_95 : memref<64xi32, #tpu.memory_space<vmem>>) semaphore(%arg18 : memref<!tpu.dma_semaphore, #tpu.memory_space<semaphore_mem>>)
      %dma_start3A_99 = arith.constant 192 : i32
      %dma_start3A_100 = arith.constant 0 : i32
      %dma_start3A_101 = tpu.memref_slice %arg14[%dma_start3A_99, %dma_start3A_100] : memref<320x64xf32, #tpu.memory_space<vmem>> -> memref<64x64xf32, #tpu.memory_space<vmem>>
      %dma_start3A_102 = arith.constant 192 : i32
      %dma_start3A_103 = tpu.memref_slice %arg11[%dma_start3A_102] : memref<320xi32, #tpu.memory_space<vmem>> -> memref<64xi32, #tpu.memory_space<vmem>>
      %dma_start3A_104 = arith.constant 0 : i32
      %dma_start3A_105 = arith.constant 0 : i32
      %dma_start3A_106 = tpu.memref_slice %arg7[%dma_start3A_104, %dma_start3A_105] : memref<4096x64xf32, #tpu.memory_space<hbm>> -> memref<4096x64xf32, #tpu.memory_space<hbm>>
      tpu.enqueue_indirect_dma source(%dma_start3A_106 : memref<4096x64xf32, #tpu.memory_space<hbm>>) target(%dma_start3A_101 : memref<64x64xf32, #tpu.memory_space<vmem>>) offsets(%dma_start3A_103 : memref<64xi32, #tpu.memory_space<vmem>>) semaphore(%arg18 : memref<!tpu.dma_semaphore, #tpu.memory_space<semaphore_mem>>)
      %dma_start3A_107 = arith.constant 192 : i32
      %dma_start3A_108 = arith.constant 0 : i32
      %dma_start3A_109 = tpu.memref_slice %arg15[%dma_start3A_107, %dma_start3A_108] : memref<320x64xf32, #tpu.memory_space<vmem>> -> memref<64x64xf32, #tpu.memory_space<vmem>>
      %dma_start3A_110 = arith.constant 192 : i32
      %dma_start3A_111 = tpu.memref_slice %arg12[%dma_start3A_110] : memref<320xi32, #tpu.memory_space<vmem>> -> memref<64xi32, #tpu.memory_space<vmem>>
      %dma_start3A_112 = arith.constant 0 : i32
      %dma_start3A_113 = arith.constant 0 : i32
      %dma_start3A_114 = tpu.memref_slice %arg8[%dma_start3A_112, %dma_start3A_113] : memref<4096x64xf32, #tpu.memory_space<hbm>> -> memref<4096x64xf32, #tpu.memory_space<hbm>>
      tpu.enqueue_indirect_dma source(%dma_start3A_114 : memref<4096x64xf32, #tpu.memory_space<hbm>>) target(%dma_start3A_109 : memref<64x64xf32, #tpu.memory_space<vmem>>) offsets(%dma_start3A_111 : memref<64xi32, #tpu.memory_space<vmem>>) semaphore(%arg18 : memref<!tpu.dma_semaphore, #tpu.memory_space<semaphore_mem>>)
      %dma_start3A_115 = arith.constant 256 : i32
      %dma_start3A_116 = arith.constant 0 : i32
      %dma_start3A_117 = tpu.memref_slice %arg13[%dma_start3A_115, %dma_start3A_116] : memref<320x64xf32, #tpu.memory_space<vmem>> -> memref<64x64xf32, #tpu.memory_space<vmem>>
      %dma_start3A_118 = arith.constant 256 : i32
      %dma_start3A_119 = tpu.memref_slice %arg10[%dma_start3A_118] : memref<320xi32, #tpu.memory_space<vmem>> -> memref<64xi32, #tpu.memory_space<vmem>>
      %dma_start3A_120 = arith.constant 0 : i32
      %dma_start3A_121 = arith.constant 0 : i32
      %dma_start3A_122 = tpu.memref_slice %arg6[%dma_start3A_120, %dma_start3A_121] : memref<4096x64xf32, #tpu.memory_space<hbm>> -> memref<4096x64xf32, #tpu.memory_space<hbm>>
      tpu.enqueue_indirect_dma source(%dma_start3A_122 : memref<4096x64xf32, #tpu.memory_space<hbm>>) target(%dma_start3A_117 : memref<64x64xf32, #tpu.memory_space<vmem>>) offsets(%dma_start3A_119 : memref<64xi32, #tpu.memory_space<vmem>>) semaphore(%arg18 : memref<!tpu.dma_semaphore, #tpu.memory_space<semaphore_mem>>)
      %dma_start3A_123 = arith.constant 256 : i32
      %dma_start3A_124 = arith.constant 0 : i32
      %dma_start3A_125 = tpu.memref_slice %arg14[%dma_start3A_123, %dma_start3A_124] : memref<320x64xf32, #tpu.memory_space<vmem>> -> memref<64x64xf32, #tpu.memory_space<vmem>>
      %dma_start3A_126 = arith.constant 256 : i32
      %dma_start3A_127 = tpu.memref_slice %arg11[%dma_start3A_126] : memref<320xi32, #tpu.memory_space<vmem>> -> memref<64xi32, #tpu.memory_space<vmem>>
      %dma_start3A_128 = arith.constant 0 : i32
      %dma_start3A_129 = arith.constant 0 : i32
      %dma_start3A_130 = tpu.memref_slice %arg7[%dma_start3A_128, %dma_start3A_129] : memref<4096x64xf32, #tpu.memory_space<hbm>> -> memref<4096x64xf32, #tpu.memory_space<hbm>>
      tpu.enqueue_indirect_dma source(%dma_start3A_130 : memref<4096x64xf32, #tpu.memory_space<hbm>>) target(%dma_start3A_125 : memref<64x64xf32, #tpu.memory_space<vmem>>) offsets(%dma_start3A_127 : memref<64xi32, #tpu.memory_space<vmem>>) semaphore(%arg18 : memref<!tpu.dma_semaphore, #tpu.memory_space<semaphore_mem>>)
      %dma_start3A_131 = arith.constant 256 : i32
      %dma_start3A_132 = arith.constant 0 : i32
      %dma_start3A_133 = tpu.memref_slice %arg15[%dma_start3A_131, %dma_start3A_132] : memref<320x64xf32, #tpu.memory_space<vmem>> -> memref<64x64xf32, #tpu.memory_space<vmem>>
      %dma_start3A_134 = arith.constant 256 : i32
      %dma_start3A_135 = tpu.memref_slice %arg12[%dma_start3A_134] : memref<320xi32, #tpu.memory_space<vmem>> -> memref<64xi32, #tpu.memory_space<vmem>>
      %dma_start3A_136 = arith.constant 0 : i32
      %dma_start3A_137 = arith.constant 0 : i32
      %dma_start3A_138 = tpu.memref_slice %arg8[%dma_start3A_136, %dma_start3A_137] : memref<4096x64xf32, #tpu.memory_space<hbm>> -> memref<4096x64xf32, #tpu.memory_space<hbm>>
      tpu.enqueue_indirect_dma source(%dma_start3A_138 : memref<4096x64xf32, #tpu.memory_space<hbm>>) target(%dma_start3A_133 : memref<64x64xf32, #tpu.memory_space<vmem>>) offsets(%dma_start3A_135 : memref<64xi32, #tpu.memory_space<vmem>>) semaphore(%arg18 : memref<!tpu.dma_semaphore, #tpu.memory_space<semaphore_mem>>)
      %dma_wait3A = arith.constant 0 : i32
      %dma_wait3A_139 = arith.constant 0 : i32
      %dma_wait3A_140 = tpu.memref_slice %arg13[%dma_wait3A, %dma_wait3A_139] : memref<320x64xf32, #tpu.memory_space<vmem>> -> memref<64x64xf32, #tpu.memory_space<vmem>>
      %dma_wait3A_141 = arith.constant 0 : i32
      %dma_wait3A_142 = tpu.memref_slice %arg10[%dma_wait3A_141] : memref<320xi32, #tpu.memory_space<vmem>> -> memref<64xi32, #tpu.memory_space<vmem>>
      %dma_wait3A_143 = arith.constant 0 : i32
      %dma_wait3A_144 = arith.constant 0 : i32
      %dma_wait3A_145 = tpu.memref_slice %arg6[%dma_wait3A_143, %dma_wait3A_144] : memref<4096x64xf32, #tpu.memory_space<hbm>> -> memref<4096x64xf32, #tpu.memory_space<hbm>>
      tpu.wait_indirect_dma semaphore(%arg18 : memref<!tpu.dma_semaphore, #tpu.memory_space<semaphore_mem>>) src(%dma_wait3A_145 : memref<4096x64xf32, #tpu.memory_space<hbm>>) dst(%dma_wait3A_140 : memref<64x64xf32, #tpu.memory_space<vmem>>)
      %dma_wait3A_146 = arith.constant 0 : i32
      %dma_wait3A_147 = arith.constant 0 : i32
      %dma_wait3A_148 = tpu.memref_slice %arg14[%dma_wait3A_146, %dma_wait3A_147] : memref<320x64xf32, #tpu.memory_space<vmem>> -> memref<64x64xf32, #tpu.memory_space<vmem>>
      %dma_wait3A_149 = arith.constant 0 : i32
      %dma_wait3A_150 = tpu.memref_slice %arg11[%dma_wait3A_149] : memref<320xi32, #tpu.memory_space<vmem>> -> memref<64xi32, #tpu.memory_space<vmem>>
      %dma_wait3A_151 = arith.constant 0 : i32
      %dma_wait3A_152 = arith.constant 0 : i32
      %dma_wait3A_153 = tpu.memref_slice %arg7[%dma_wait3A_151, %dma_wait3A_152] : memref<4096x64xf32, #tpu.memory_space<hbm>> -> memref<4096x64xf32, #tpu.memory_space<hbm>>
      tpu.wait_indirect_dma semaphore(%arg18 : memref<!tpu.dma_semaphore, #tpu.memory_space<semaphore_mem>>) src(%dma_wait3A_153 : memref<4096x64xf32, #tpu.memory_space<hbm>>) dst(%dma_wait3A_148 : memref<64x64xf32, #tpu.memory_space<vmem>>)
      %dma_wait3A_154 = arith.constant 0 : i32
      %dma_wait3A_155 = arith.constant 0 : i32
      %dma_wait3A_156 = tpu.memref_slice %arg15[%dma_wait3A_154, %dma_wait3A_155] : memref<320x64xf32, #tpu.memory_space<vmem>> -> memref<64x64xf32, #tpu.memory_space<vmem>>
      %dma_wait3A_157 = arith.constant 0 : i32
      %dma_wait3A_158 = tpu.memref_slice %arg12[%dma_wait3A_157] : memref<320xi32, #tpu.memory_space<vmem>> -> memref<64xi32, #tpu.memory_space<vmem>>
      %dma_wait3A_159 = arith.constant 0 : i32
      %dma_wait3A_160 = arith.constant 0 : i32
      %dma_wait3A_161 = tpu.memref_slice %arg8[%dma_wait3A_159, %dma_wait3A_160] : memref<4096x64xf32, #tpu.memory_space<hbm>> -> memref<4096x64xf32, #tpu.memory_space<hbm>>
      tpu.wait_indirect_dma semaphore(%arg18 : memref<!tpu.dma_semaphore, #tpu.memory_space<semaphore_mem>>) src(%dma_wait3A_161 : memref<4096x64xf32, #tpu.memory_space<hbm>>) dst(%dma_wait3A_156 : memref<64x64xf32, #tpu.memory_space<vmem>>)
      %dma_wait3A_162 = arith.constant 64 : i32
      %dma_wait3A_163 = arith.constant 0 : i32
      %dma_wait3A_164 = tpu.memref_slice %arg13[%dma_wait3A_162, %dma_wait3A_163] : memref<320x64xf32, #tpu.memory_space<vmem>> -> memref<64x64xf32, #tpu.memory_space<vmem>>
      %dma_wait3A_165 = arith.constant 64 : i32
      %dma_wait3A_166 = tpu.memref_slice %arg10[%dma_wait3A_165] : memref<320xi32, #tpu.memory_space<vmem>> -> memref<64xi32, #tpu.memory_space<vmem>>
      %dma_wait3A_167 = arith.constant 0 : i32
      %dma_wait3A_168 = arith.constant 0 : i32
      %dma_wait3A_169 = tpu.memref_slice %arg6[%dma_wait3A_167, %dma_wait3A_168] : memref<4096x64xf32, #tpu.memory_space<hbm>> -> memref<4096x64xf32, #tpu.memory_space<hbm>>
      tpu.wait_indirect_dma semaphore(%arg18 : memref<!tpu.dma_semaphore, #tpu.memory_space<semaphore_mem>>) src(%dma_wait3A_169 : memref<4096x64xf32, #tpu.memory_space<hbm>>) dst(%dma_wait3A_164 : memref<64x64xf32, #tpu.memory_space<vmem>>)
      %dma_wait3A_170 = arith.constant 64 : i32
      %dma_wait3A_171 = arith.constant 0 : i32
      %dma_wait3A_172 = tpu.memref_slice %arg14[%dma_wait3A_170, %dma_wait3A_171] : memref<320x64xf32, #tpu.memory_space<vmem>> -> memref<64x64xf32, #tpu.memory_space<vmem>>
      %dma_wait3A_173 = arith.constant 64 : i32
      %dma_wait3A_174 = tpu.memref_slice %arg11[%dma_wait3A_173] : memref<320xi32, #tpu.memory_space<vmem>> -> memref<64xi32, #tpu.memory_space<vmem>>
      %dma_wait3A_175 = arith.constant 0 : i32
      %dma_wait3A_176 = arith.constant 0 : i32
      %dma_wait3A_177 = tpu.memref_slice %arg7[%dma_wait3A_175, %dma_wait3A_176] : memref<4096x64xf32, #tpu.memory_space<hbm>> -> memref<4096x64xf32, #tpu.memory_space<hbm>>
      tpu.wait_indirect_dma semaphore(%arg18 : memref<!tpu.dma_semaphore, #tpu.memory_space<semaphore_mem>>) src(%dma_wait3A_177 : memref<4096x64xf32, #tpu.memory_space<hbm>>) dst(%dma_wait3A_172 : memref<64x64xf32, #tpu.memory_space<vmem>>)
      %dma_wait3A_178 = arith.constant 64 : i32
      %dma_wait3A_179 = arith.constant 0 : i32
      %dma_wait3A_180 = tpu.memref_slice %arg15[%dma_wait3A_178, %dma_wait3A_179] : memref<320x64xf32, #tpu.memory_space<vmem>> -> memref<64x64xf32, #tpu.memory_space<vmem>>
      %dma_wait3A_181 = arith.constant 64 : i32
      %dma_wait3A_182 = tpu.memref_slice %arg12[%dma_wait3A_181] : memref<320xi32, #tpu.memory_space<vmem>> -> memref<64xi32, #tpu.memory_space<vmem>>
      %dma_wait3A_183 = arith.constant 0 : i32
      %dma_wait3A_184 = arith.constant 0 : i32
      %dma_wait3A_185 = tpu.memref_slice %arg8[%dma_wait3A_183, %dma_wait3A_184] : memref<4096x64xf32, #tpu.memory_space<hbm>> -> memref<4096x64xf32, #tpu.memory_space<hbm>>
      tpu.wait_indirect_dma semaphore(%arg18 : memref<!tpu.dma_semaphore, #tpu.memory_space<semaphore_mem>>) src(%dma_wait3A_185 : memref<4096x64xf32, #tpu.memory_space<hbm>>) dst(%dma_wait3A_180 : memref<64x64xf32, #tpu.memory_space<vmem>>)
      %dma_wait3A_186 = arith.constant 128 : i32
      %dma_wait3A_187 = arith.constant 0 : i32
      %dma_wait3A_188 = tpu.memref_slice %arg13[%dma_wait3A_186, %dma_wait3A_187] : memref<320x64xf32, #tpu.memory_space<vmem>> -> memref<64x64xf32, #tpu.memory_space<vmem>>
      %dma_wait3A_189 = arith.constant 128 : i32
      %dma_wait3A_190 = tpu.memref_slice %arg10[%dma_wait3A_189] : memref<320xi32, #tpu.memory_space<vmem>> -> memref<64xi32, #tpu.memory_space<vmem>>
      %dma_wait3A_191 = arith.constant 0 : i32
      %dma_wait3A_192 = arith.constant 0 : i32
      %dma_wait3A_193 = tpu.memref_slice %arg6[%dma_wait3A_191, %dma_wait3A_192] : memref<4096x64xf32, #tpu.memory_space<hbm>> -> memref<4096x64xf32, #tpu.memory_space<hbm>>
      tpu.wait_indirect_dma semaphore(%arg18 : memref<!tpu.dma_semaphore, #tpu.memory_space<semaphore_mem>>) src(%dma_wait3A_193 : memref<4096x64xf32, #tpu.memory_space<hbm>>) dst(%dma_wait3A_188 : memref<64x64xf32, #tpu.memory_space<vmem>>)
      %dma_wait3A_194 = arith.constant 128 : i32
      %dma_wait3A_195 = arith.constant 0 : i32
      %dma_wait3A_196 = tpu.memref_slice %arg14[%dma_wait3A_194, %dma_wait3A_195] : memref<320x64xf32, #tpu.memory_space<vmem>> -> memref<64x64xf32, #tpu.memory_space<vmem>>
      %dma_wait3A_197 = arith.constant 128 : i32
      %dma_wait3A_198 = tpu.memref_slice %arg11[%dma_wait3A_197] : memref<320xi32, #tpu.memory_space<vmem>> -> memref<64xi32, #tpu.memory_space<vmem>>
      %dma_wait3A_199 = arith.constant 0 : i32
      %dma_wait3A_200 = arith.constant 0 : i32
      %dma_wait3A_201 = tpu.memref_slice %arg7[%dma_wait3A_199, %dma_wait3A_200] : memref<4096x64xf32, #tpu.memory_space<hbm>> -> memref<4096x64xf32, #tpu.memory_space<hbm>>
      tpu.wait_indirect_dma semaphore(%arg18 : memref<!tpu.dma_semaphore, #tpu.memory_space<semaphore_mem>>) src(%dma_wait3A_201 : memref<4096x64xf32, #tpu.memory_space<hbm>>) dst(%dma_wait3A_196 : memref<64x64xf32, #tpu.memory_space<vmem>>)
      %dma_wait3A_202 = arith.constant 128 : i32
      %dma_wait3A_203 = arith.constant 0 : i32
      %dma_wait3A_204 = tpu.memref_slice %arg15[%dma_wait3A_202, %dma_wait3A_203] : memref<320x64xf32, #tpu.memory_space<vmem>> -> memref<64x64xf32, #tpu.memory_space<vmem>>
      %dma_wait3A_205 = arith.constant 128 : i32
      %dma_wait3A_206 = tpu.memref_slice %arg12[%dma_wait3A_205] : memref<320xi32, #tpu.memory_space<vmem>> -> memref<64xi32, #tpu.memory_space<vmem>>
      %dma_wait3A_207 = arith.constant 0 : i32
      %dma_wait3A_208 = arith.constant 0 : i32
      %dma_wait3A_209 = tpu.memref_slice %arg8[%dma_wait3A_207, %dma_wait3A_208] : memref<4096x64xf32, #tpu.memory_space<hbm>> -> memref<4096x64xf32, #tpu.memory_space<hbm>>
      tpu.wait_indirect_dma semaphore(%arg18 : memref<!tpu.dma_semaphore, #tpu.memory_space<semaphore_mem>>) src(%dma_wait3A_209 : memref<4096x64xf32, #tpu.memory_space<hbm>>) dst(%dma_wait3A_204 : memref<64x64xf32, #tpu.memory_space<vmem>>)
      %dma_wait3A_210 = arith.constant 192 : i32
      %dma_wait3A_211 = arith.constant 0 : i32
      %dma_wait3A_212 = tpu.memref_slice %arg13[%dma_wait3A_210, %dma_wait3A_211] : memref<320x64xf32, #tpu.memory_space<vmem>> -> memref<64x64xf32, #tpu.memory_space<vmem>>
      %dma_wait3A_213 = arith.constant 192 : i32
      %dma_wait3A_214 = tpu.memref_slice %arg10[%dma_wait3A_213] : memref<320xi32, #tpu.memory_space<vmem>> -> memref<64xi32, #tpu.memory_space<vmem>>
      %dma_wait3A_215 = arith.constant 0 : i32
      %dma_wait3A_216 = arith.constant 0 : i32
      %dma_wait3A_217 = tpu.memref_slice %arg6[%dma_wait3A_215, %dma_wait3A_216] : memref<4096x64xf32, #tpu.memory_space<hbm>> -> memref<4096x64xf32, #tpu.memory_space<hbm>>
      tpu.wait_indirect_dma semaphore(%arg18 : memref<!tpu.dma_semaphore, #tpu.memory_space<semaphore_mem>>) src(%dma_wait3A_217 : memref<4096x64xf32, #tpu.memory_space<hbm>>) dst(%dma_wait3A_212 : memref<64x64xf32, #tpu.memory_space<vmem>>)
      %dma_wait3A_218 = arith.constant 192 : i32
      %dma_wait3A_219 = arith.constant 0 : i32
      %dma_wait3A_220 = tpu.memref_slice %arg14[%dma_wait3A_218, %dma_wait3A_219] : memref<320x64xf32, #tpu.memory_space<vmem>> -> memref<64x64xf32, #tpu.memory_space<vmem>>
      %dma_wait3A_221 = arith.constant 192 : i32
      %dma_wait3A_222 = tpu.memref_slice %arg11[%dma_wait3A_221] : memref<320xi32, #tpu.memory_space<vmem>> -> memref<64xi32, #tpu.memory_space<vmem>>
      %dma_wait3A_223 = arith.constant 0 : i32
      %dma_wait3A_224 = arith.constant 0 : i32
      %dma_wait3A_225 = tpu.memref_slice %arg7[%dma_wait3A_223, %dma_wait3A_224] : memref<4096x64xf32, #tpu.memory_space<hbm>> -> memref<4096x64xf32, #tpu.memory_space<hbm>>
      tpu.wait_indirect_dma semaphore(%arg18 : memref<!tpu.dma_semaphore, #tpu.memory_space<semaphore_mem>>) src(%dma_wait3A_225 : memref<4096x64xf32, #tpu.memory_space<hbm>>) dst(%dma_wait3A_220 : memref<64x64xf32, #tpu.memory_space<vmem>>)
      %dma_wait3A_226 = arith.constant 192 : i32
      %dma_wait3A_227 = arith.constant 0 : i32
      %dma_wait3A_228 = tpu.memref_slice %arg15[%dma_wait3A_226, %dma_wait3A_227] : memref<320x64xf32, #tpu.memory_space<vmem>> -> memref<64x64xf32, #tpu.memory_space<vmem>>
      %dma_wait3A_229 = arith.constant 192 : i32
      %dma_wait3A_230 = tpu.memref_slice %arg12[%dma_wait3A_229] : memref<320xi32, #tpu.memory_space<vmem>> -> memref<64xi32, #tpu.memory_space<vmem>>
      %dma_wait3A_231 = arith.constant 0 : i32
      %dma_wait3A_232 = arith.constant 0 : i32
      %dma_wait3A_233 = tpu.memref_slice %arg8[%dma_wait3A_231, %dma_wait3A_232] : memref<4096x64xf32, #tpu.memory_space<hbm>> -> memref<4096x64xf32, #tpu.memory_space<hbm>>
      tpu.wait_indirect_dma semaphore(%arg18 : memref<!tpu.dma_semaphore, #tpu.memory_space<semaphore_mem>>) src(%dma_wait3A_233 : memref<4096x64xf32, #tpu.memory_space<hbm>>) dst(%dma_wait3A_228 : memref<64x64xf32, #tpu.memory_space<vmem>>)
      %dma_wait3A_234 = arith.constant 256 : i32
      %dma_wait3A_235 = arith.constant 0 : i32
      %dma_wait3A_236 = tpu.memref_slice %arg13[%dma_wait3A_234, %dma_wait3A_235] : memref<320x64xf32, #tpu.memory_space<vmem>> -> memref<64x64xf32, #tpu.memory_space<vmem>>
      %dma_wait3A_237 = arith.constant 256 : i32
      %dma_wait3A_238 = tpu.memref_slice %arg10[%dma_wait3A_237] : memref<320xi32, #tpu.memory_space<vmem>> -> memref<64xi32, #tpu.memory_space<vmem>>
      %dma_wait3A_239 = arith.constant 0 : i32
      %dma_wait3A_240 = arith.constant 0 : i32
      %dma_wait3A_241 = tpu.memref_slice %arg6[%dma_wait3A_239, %dma_wait3A_240] : memref<4096x64xf32, #tpu.memory_space<hbm>> -> memref<4096x64xf32, #tpu.memory_space<hbm>>
      tpu.wait_indirect_dma semaphore(%arg18 : memref<!tpu.dma_semaphore, #tpu.memory_space<semaphore_mem>>) src(%dma_wait3A_241 : memref<4096x64xf32, #tpu.memory_space<hbm>>) dst(%dma_wait3A_236 : memref<64x64xf32, #tpu.memory_space<vmem>>)
      %dma_wait3A_242 = arith.constant 256 : i32
      %dma_wait3A_243 = arith.constant 0 : i32
      %dma_wait3A_244 = tpu.memref_slice %arg14[%dma_wait3A_242, %dma_wait3A_243] : memref<320x64xf32, #tpu.memory_space<vmem>> -> memref<64x64xf32, #tpu.memory_space<vmem>>
      %dma_wait3A_245 = arith.constant 256 : i32
      %dma_wait3A_246 = tpu.memref_slice %arg11[%dma_wait3A_245] : memref<320xi32, #tpu.memory_space<vmem>> -> memref<64xi32, #tpu.memory_space<vmem>>
      %dma_wait3A_247 = arith.constant 0 : i32
      %dma_wait3A_248 = arith.constant 0 : i32
      %dma_wait3A_249 = tpu.memref_slice %arg7[%dma_wait3A_247, %dma_wait3A_248] : memref<4096x64xf32, #tpu.memory_space<hbm>> -> memref<4096x64xf32, #tpu.memory_space<hbm>>
      tpu.wait_indirect_dma semaphore(%arg18 : memref<!tpu.dma_semaphore, #tpu.memory_space<semaphore_mem>>) src(%dma_wait3A_249 : memref<4096x64xf32, #tpu.memory_space<hbm>>) dst(%dma_wait3A_244 : memref<64x64xf32, #tpu.memory_space<vmem>>)
      %dma_wait3A_250 = arith.constant 256 : i32
      %dma_wait3A_251 = arith.constant 0 : i32
      %dma_wait3A_252 = tpu.memref_slice %arg15[%dma_wait3A_250, %dma_wait3A_251] : memref<320x64xf32, #tpu.memory_space<vmem>> -> memref<64x64xf32, #tpu.memory_space<vmem>>
      %dma_wait3A_253 = arith.constant 256 : i32
      %dma_wait3A_254 = tpu.memref_slice %arg12[%dma_wait3A_253] : memref<320xi32, #tpu.memory_space<vmem>> -> memref<64xi32, #tpu.memory_space<vmem>>
      %dma_wait3A_255 = arith.constant 0 : i32
      %dma_wait3A_256 = arith.constant 0 : i32
      %dma_wait3A_257 = tpu.memref_slice %arg8[%dma_wait3A_255, %dma_wait3A_256] : memref<4096x64xf32, #tpu.memory_space<hbm>> -> memref<4096x64xf32, #tpu.memory_space<hbm>>
      tpu.wait_indirect_dma semaphore(%arg18 : memref<!tpu.dma_semaphore, #tpu.memory_space<semaphore_mem>>) src(%dma_wait3A_257 : memref<4096x64xf32, #tpu.memory_space<hbm>>) dst(%dma_wait3A_252 : memref<64x64xf32, #tpu.memory_space<vmem>>)
      %scan3A_258 = arith.constant 0 : i32
      %scan3A_259 = arith.constant 0 : i32
      %scan3A_260 = arith.constant 16 : i32
      %scan3A_261 = arith.addi %scan3A_259, %scan3A_260 : i32
      %scan3A_262 = arith.constant 1 : i32
      %scan3A_263 = scf.for %scan3A_266 = %scan3A_259 to %scan3A_261 step %scan3A_262 iter_args(%scan3A_267 = %scan3A_258) -> (i32)  : i32 {
        %mul3A_268 = arith.constant 20 : i32
        %mul3A_269 = arith.muli %scan3A_266, %mul3A_268 : i32
        %broadcast_in_dim3A = arith.constant 0.000000e+00 : f32
        %broadcast_in_dim3A_270 = vector.broadcast %broadcast_in_dim3A : f32 to vector<16xf32>
        %scan3A_271 = arith.constant 0 : i32
        %scan3A_272 = arith.constant 20 : i32
        %scan3A_273 = arith.addi %scan3A_271, %scan3A_272 : i32
        %scan3A_274 = arith.constant 1 : i32
        %scan3A_275:4 = scf.for %scan3A_305 = %scan3A_271 to %scan3A_273 step %scan3A_274 iter_args(%scan3A_306 = %broadcast_in_dim3A_270, %scan3A_307 = %broadcast_in_dim3A_270, %scan3A_308 = %broadcast_in_dim3A_270, %scan3A_309 = %broadcast_in_dim3A_270) -> (vector<16xf32>, vector<16xf32>, vector<16xf32>, vector<16xf32>)  : i32 {
          %add3A_310 = arith.addi %mul3A_269, %scan3A_305 : i32
          %get3A_311 = arith.index_cast %add3A_310 : i32 to index
          %get3A_312 = arith.constant 0 : index
          %get3A_313 = tpu.vector_load %arg13[%get3A_311, %get3A_312] {strides = array<i32>} : memref<320x64xf32, #tpu.memory_space<vmem>>, vector<1x16xf32>,
          %get3A_314 = vector.shape_cast %get3A_313 : vector<1x16xf32> to vector<16xf32>
          %add3A_315 = arith.addf %scan3A_306, %get3A_314 : vector<16xf32>
          %get3A_316 = arith.index_cast %add3A_310 : i32 to index
          %get3A_317 = arith.constant 16 : index
          %get3A_318 = tpu.vector_load %arg13[%get3A_316, %get3A_317] {strides = array<i32>} : memref<320x64xf32, #tpu.memory_space<vmem>>, vector<1x16xf32>,
          %get3A_319 = vector.shape_cast %get3A_318 : vector<1x16xf32> to vector<16xf32>
          %add3A_320 = arith.addf %scan3A_307, %get3A_319 : vector<16xf32>
          %get3A_321 = arith.index_cast %add3A_310 : i32 to index
          %get3A_322 = arith.constant 32 : index
          %get3A_323 = tpu.vector_load %arg13[%get3A_321, %get3A_322] {strides = array<i32>} : memref<320x64xf32, #tpu.memory_space<vmem>>, vector<1x16xf32>,
          %get3A_324 = vector.shape_cast %get3A_323 : vector<1x16xf32> to vector<16xf32>
          %add3A_325 = arith.addf %scan3A_308, %get3A_324 : vector<16xf32>
          %get3A_326 = arith.index_cast %add3A_310 : i32 to index
          %get3A_327 = arith.constant 48 : index
          %get3A_328 = tpu.vector_load %arg13[%get3A_326, %get3A_327] {strides = array<i32>} : memref<320x64xf32, #tpu.memory_space<vmem>>, vector<1x16xf32>,
          %get3A_329 = vector.shape_cast %get3A_328 : vector<1x16xf32> to vector<16xf32>
          %add3A_330 = arith.addf %scan3A_309, %get3A_329 : vector<16xf32>
          %get3A_331 = arith.index_cast %add3A_310 : i32 to index
          %get3A_332 = arith.constant 0 : index
          %get3A_333 = tpu.vector_load %arg14[%get3A_331, %get3A_332] {strides = array<i32>} : memref<320x64xf32, #tpu.memory_space<vmem>>, vector<1x16xf32>,
          %get3A_334 = vector.shape_cast %get3A_333 : vector<1x16xf32> to vector<16xf32>
          %add3A_335 = arith.addf %add3A_315, %get3A_334 : vector<16xf32>
          %get3A_336 = arith.index_cast %add3A_310 : i32 to index
          %get3A_337 = arith.constant 16 : index
          %get3A_338 = tpu.vector_load %arg14[%get3A_336, %get3A_337] {strides = array<i32>} : memref<320x64xf32, #tpu.memory_space<vmem>>, vector<1x16xf32>,
          %get3A_339 = vector.shape_cast %get3A_338 : vector<1x16xf32> to vector<16xf32>
          %add3A_340 = arith.addf %add3A_320, %get3A_339 : vector<16xf32>
          %get3A_341 = arith.index_cast %add3A_310 : i32 to index
          %get3A_342 = arith.constant 32 : index
          %get3A_343 = tpu.vector_load %arg14[%get3A_341, %get3A_342] {strides = array<i32>} : memref<320x64xf32, #tpu.memory_space<vmem>>, vector<1x16xf32>,
          %get3A_344 = vector.shape_cast %get3A_343 : vector<1x16xf32> to vector<16xf32>
          %add3A_345 = arith.addf %add3A_325, %get3A_344 : vector<16xf32>
          %get3A_346 = arith.index_cast %add3A_310 : i32 to index
          %get3A_347 = arith.constant 48 : index
          %get3A_348 = tpu.vector_load %arg14[%get3A_346, %get3A_347] {strides = array<i32>} : memref<320x64xf32, #tpu.memory_space<vmem>>, vector<1x16xf32>,
          %get3A_349 = vector.shape_cast %get3A_348 : vector<1x16xf32> to vector<16xf32>
          %add3A_350 = arith.addf %add3A_330, %get3A_349 : vector<16xf32>
          %get3A_351 = arith.index_cast %add3A_310 : i32 to index
          %get3A_352 = arith.constant 0 : index
          %get3A_353 = tpu.vector_load %arg15[%get3A_351, %get3A_352] {strides = array<i32>} : memref<320x64xf32, #tpu.memory_space<vmem>>, vector<1x16xf32>,
          %get3A_354 = vector.shape_cast %get3A_353 : vector<1x16xf32> to vector<16xf32>
          %add3A_355 = arith.addf %add3A_335, %get3A_354 : vector<16xf32>
          %get3A_356 = arith.index_cast %add3A_310 : i32 to index
          %get3A_357 = arith.constant 16 : index
          %get3A_358 = tpu.vector_load %arg15[%get3A_356, %get3A_357] {strides = array<i32>} : memref<320x64xf32, #tpu.memory_space<vmem>>, vector<1x16xf32>,
          %get3A_359 = vector.shape_cast %get3A_358 : vector<1x16xf32> to vector<16xf32>
          %add3A_360 = arith.addf %add3A_340, %get3A_359 : vector<16xf32>
          %get3A_361 = arith.index_cast %add3A_310 : i32 to index
          %get3A_362 = arith.constant 32 : index
          %get3A_363 = tpu.vector_load %arg15[%get3A_361, %get3A_362] {strides = array<i32>} : memref<320x64xf32, #tpu.memory_space<vmem>>, vector<1x16xf32>,
          %get3A_364 = vector.shape_cast %get3A_363 : vector<1x16xf32> to vector<16xf32>
          %add3A_365 = arith.addf %add3A_345, %get3A_364 : vector<16xf32>
          %get3A_366 = arith.index_cast %add3A_310 : i32 to index
          %get3A_367 = arith.constant 48 : index
          %get3A_368 = tpu.vector_load %arg15[%get3A_366, %get3A_367] {strides = array<i32>} : memref<320x64xf32, #tpu.memory_space<vmem>>, vector<1x16xf32>,
          %get3A_369 = vector.shape_cast %get3A_368 : vector<1x16xf32> to vector<16xf32>
          %add3A_370 = arith.addf %add3A_350, %get3A_369 : vector<16xf32>
          scf.yield %add3A_355, %add3A_360, %add3A_365, %add3A_370 : vector<16xf32>, vector<16xf32>, vector<16xf32>, vector<16xf32>
        }
        %scan3A_276 = arith.constant 20 : i32
        %get3A = arith.constant 0 : index
        %get3A_277 = tpu.vector_load %arg17[%get3A] {strides = array<i32>} : memref<16xf32, #tpu.memory_space<vmem>>, vector<16xf32>,
        %get3A_278 = vector.shape_cast %get3A_277 : vector<16xf32> to vector<16xf32>
        %broadcast_in_dim3A_279 = vector.broadcast %scan3A_266 : i32 to vector<16x1xi32>
        %gather3A = vector.shape_cast %broadcast_in_dim3A_279 : vector<16x1xi32> to vector<16xi32>
        %gather3A_280 = tpu.dynamic_gather %get3A_278[%gather3A] in [0] : vector<16xf32>, vector<16xi32> -> vector<16xf32>
        %mul3A_281 = arith.mulf %scan3A_275#0, %gather3A_280 : vector<16xf32>
        %swap3A = arith.index_cast %scan3A_266 : i32 to index
        %swap3A_282 = arith.constant 0 : index
        %swap3A_283 = tpu.vector_load %arg16[%swap3A, %swap3A_282] {strides = array<i32>} : memref<16x64xf32, #tpu.memory_space<vmem>>, vector<1x16xf32>,
        %swap3A_284 = vector.shape_cast %swap3A_283 : vector<1x16xf32> to vector<16xf32>
        %swap3A_285 = vector.shape_cast %mul3A_281 : vector<16xf32> to vector<1x16xf32>
        tpu.vector_store %arg16[%swap3A, %swap3A_282], %swap3A_285 {strides = array<i32>} : memref<16x64xf32, #tpu.memory_space<vmem>>, vector<1x16xf32>,
        %mul3A_286 = arith.mulf %scan3A_275#1, %gather3A_280 : vector<16xf32>
        %swap3A_287 = arith.index_cast %scan3A_266 : i32 to index
        %swap3A_288 = arith.constant 16 : index
        %swap3A_289 = tpu.vector_load %arg16[%swap3A_287, %swap3A_288] {strides = array<i32>} : memref<16x64xf32, #tpu.memory_space<vmem>>, vector<1x16xf32>,
        %swap3A_290 = vector.shape_cast %swap3A_289 : vector<1x16xf32> to vector<16xf32>
        %swap3A_291 = vector.shape_cast %mul3A_286 : vector<16xf32> to vector<1x16xf32>
        tpu.vector_store %arg16[%swap3A_287, %swap3A_288], %swap3A_291 {strides = array<i32>} : memref<16x64xf32, #tpu.memory_space<vmem>>, vector<1x16xf32>,
        %mul3A_292 = arith.mulf %scan3A_275#2, %gather3A_280 : vector<16xf32>
        %swap3A_293 = arith.index_cast %scan3A_266 : i32 to index
        %swap3A_294 = arith.constant 32 : index
        %swap3A_295 = tpu.vector_load %arg16[%swap3A_293, %swap3A_294] {strides = array<i32>} : memref<16x64xf32, #tpu.memory_space<vmem>>, vector<1x16xf32>,
        %swap3A_296 = vector.shape_cast %swap3A_295 : vector<1x16xf32> to vector<16xf32>
        %swap3A_297 = vector.shape_cast %mul3A_292 : vector<16xf32> to vector<1x16xf32>
        tpu.vector_store %arg16[%swap3A_293, %swap3A_294], %swap3A_297 {strides = array<i32>} : memref<16x64xf32, #tpu.memory_space<vmem>>, vector<1x16xf32>,
        %mul3A_298 = arith.mulf %scan3A_275#3, %gather3A_280 : vector<16xf32>
        %swap3A_299 = arith.index_cast %scan3A_266 : i32 to index
        %swap3A_300 = arith.constant 48 : index
        %swap3A_301 = tpu.vector_load %arg16[%swap3A_299, %swap3A_300] {strides = array<i32>} : memref<16x64xf32, #tpu.memory_space<vmem>>, vector<1x16xf32>,
        %swap3A_302 = vector.shape_cast %swap3A_301 : vector<1x16xf32> to vector<16xf32>
        %swap3A_303 = vector.shape_cast %mul3A_298 : vector<16xf32> to vector<1x16xf32>
        tpu.vector_store %arg16[%swap3A_299, %swap3A_300], %swap3A_303 {strides = array<i32>} : memref<16x64xf32, #tpu.memory_space<vmem>>, vector<1x16xf32>,
        %scan3A_304 = arith.constant 0 : i32
        scf.yield %scan3A_304 : i32
      }
      %scan3A_264 = arith.constant 16 : i32
      "tpu.region"() ({
        %run_scoped3A = tpu.sem_alloc : memref<!tpu.dma_semaphore, #tpu.memory_space<semaphore_mem>>
        %dma_start3A_266 = arith.constant 0 : i32
        %dma_start3A_267 = tpu.memref_slice %arg9[%add3A_13, %dma_start3A_266] : memref<51200x64xf32, #tpu.memory_space<hbm>> -> memref<16x64xf32, #tpu.memory_space<hbm>>
        %dma_start3A_268 = arith.constant 0 : i32
        %dma_start3A_269 = tpu.memref_slice %arg9[%add3A_13, %dma_start3A_268] : memref<51200x64xf32, #tpu.memory_space<hbm>> -> memref<16x64xf32, #tpu.memory_space<hbm>>
        tpu.enqueue_dma source(%arg16 : memref<16x64xf32, #tpu.memory_space<vmem>>) target(%dma_start3A_269 : memref<16x64xf32, #tpu.memory_space<hbm>>) target_semaphore(%run_scoped3A : memref<!tpu.dma_semaphore, #tpu.memory_space<semaphore_mem>>)
        %dma_wait3A_270 = arith.constant 0 : i32
        %dma_wait3A_271 = tpu.memref_slice %arg9[%add3A_13, %dma_wait3A_270] : memref<51200x64xf32, #tpu.memory_space<hbm>> -> memref<16x64xf32, #tpu.memory_space<hbm>>
        %dma_wait3A_272 = arith.constant 0 : i32
        %dma_wait3A_273 = tpu.memref_slice %arg9[%add3A_13, %dma_wait3A_272] : memref<51200x64xf32, #tpu.memory_space<hbm>> -> memref<16x64xf32, #tpu.memory_space<hbm>>
        tpu.wait_dma2 semaphore(%run_scoped3A : memref<!tpu.dma_semaphore, #tpu.memory_space<semaphore_mem>>) src(%arg16 : memref<16x64xf32, #tpu.memory_space<vmem>>) dst(%dma_wait3A_273 : memref<16x64xf32, #tpu.memory_space<hbm>>)
        tpu.yield
      }) : () -> ()
      %scan3A_265 = arith.constant 0 : i32
      scf.yield %scan3A_265 : i32
    }
    %scan3A_8 = arith.constant 100 : i32
    return
  }
}

</mosaic_0001>

<sc_bundles>
// kernel: kernel.3.cloned.1.call-start
scs
__scs_entry_jumppad:
0x0: {  	(pc) =	sbr.rel $0x88, $3  }
0x1: {  	(tag) =	ssettag $0x0;
	lr =	simm.s32 $0x1  }
0x2: {  	[smem:$0x3F9A] =	sst lr;
	_ =	strace $0xD0000000  }
0x3: {  	_ = 	snop  }
0x4: {  	_ = 	snop  }
0x5: {  	_ = 	snop  }
0x6: {  	_ = 	snop  }
0x7: {  	_ = 	snop  }
__scs_overlays_trampoline_lowered:
0x8: {  	[smem:$0x3FA9] =	sst s0  }
0x9: {  	[smem:$0x3FAA] =	sst s1  }
0xa: {  	[smem:$0x3FAB] =	sst s2  }
0xb: {  	[smem:$0x3FAC] =	sst s3  }
0xc: {  	[smem:$0x3FAD] =	sst s4  }
0xd: {  	[smem:$0x3FAE] =	sst s5  }
0xe: {  	[smem:$0x3FAF] =	sst s6  }
0xf: {  	[smem:$0x3FB0] =	sst s7  }
0x10: {  	[smem:$0x3FB1] =	sst s8  }
0x11: {  	[smem:$0x3FB2] =	sst s9;
	s0 =	simm.s32 @!p0 $0x0  }
0x12: {  	s1 =	sld [smem:$0x3F98];
	s0 =	simm.s32 @p0 $0x1  }
0x13: {  	[smem:$0x3FB3] =	sst s0;
	s0 =	simm.s32 @!p1 $0x0  }
0x14: {  	s2 =	sld [smem:$0x3F97];
	s0 =	simm.s32 @p1 $0x1  }
0x15: {  	[smem:$0x3FB4] =	sst s0;
	s0 =	simm.s32 @!p2 $0x0  }
0x16: {  	s3 =	sld [smem:$0x3FDB];
	s0 =	simm.s32 @p2 $0x1  }
0x17: {  	s4 =	simm.s32 $0x1BF5;
	[smem:$0x3FB6] =	sst s0  }
0x18: {  	s0 =	sld [smem:$0x3F99];
	_ =	swait.ge [sflag:s4], $0x0  }
0x19: {  	s7 =	sld [smem:$0x3F9A]  }
0x1a: {  	s8 =	sadd.s32 $0xFFFFE003, lr  }
0x1b: {  	s9 =	sadd.s32 $0xFFFFFEF7, lr;
	s5 =	simm.s32 $0xFFFFFFFF;
	p2 =	slt.u32 s8, $0xFFFFF086  }
0x1c: {  	p1 =	slt.u32 s9, $0xF7A;
	s5 =	simm.s32 @!p2 $0x0  }
0x1d: {  	s5 =	simm.s32 @p1 $0x1;
	p0 =	seq.s32 s7, s2  }
0x1e: {  	s7 =	smul.u32 @!p0 $0xF7A, s2;
	p2 =	seq.s32 @!p0 s5, $0x0  }
0x1f: {  	s9 =	smul.u32 $0xF7A, s1;
	s8 =	simm.s32 @!p0 $0x1BF5;
	p2 =	por !p2, p0  }
0x20: {  	[sflag:s8] =	ssyncset.s32 @!p0 $0xFFFFF086;
	s6 =	sadd.s32 @!p0 s3, s7;
	s7 =	simm.s32 @!p0 $0x108  }
0x21: {  	s3 =	sadd.s32 s3, s9;
	s6 =	sadd.s32 @!p0 $0x88, s6;
	s7 =	simm.s32 @p2 $0x1082  }
0x22: {  	[simem:s7], [sflag:s8] =	dma.local @!p0 [hbm:s6], $0xF7A  }
0x23: {  	s9 =	sor.u32 $0xD0000000, s2;
	s6 =	simm.s32 $0x108;
	_ =	swait.ge @!p0 [sflag:s8], $0x0  }
0x24: {  	s3 =	sadd.s32 $0x88, s3;
	s6 =	simm.s32 @!p1 $0x1082;
	[sflag:s4] =	ssyncset.s32 $0xFFFFF086  }
0x25: {  	[simem:s6], [sflag:s4] =	dma.local [hbm:s3], $0xF7A  }
0x26: {  	[smem:$0x3F9A] =	sst s1;
	(tag) =	ssettag s2;
	_ =	strace s9  }
0x27: {  	s1 =	sld [smem:$0x3FAA]  }
0x28: {  	s2 =	sld [smem:$0x3FAB]  }
0x29: {  	s4 =	sld [smem:$0x3FAD]  }
0x2a: {  	p0 =	seq.s32 s5, $0x0;
	s5 =	sld [smem:$0x3FAE]  }
0x2b: {  	s6 =	sld [smem:$0x3FAF]  }
0x2c: {  	s7 =	sld [smem:$0x3FB0]  }
0x2d: {  	s3 =	simm.s32 $0x108;
	s8 =	sld [smem:$0x3FB1]  }
0x2e: {  	s3 =	simm.s32 @!p0 $0x1082;
	s9 =	sld [smem:$0x3FB2]  }
0x2f: {  	lr =	sadd.s32 s0, s3;
	s0 =	sld [smem:$0x3FA9]  }
0x30: {  	s3 =	sld [smem:$0x3FAC]  }
0x31: {  	[smem:$0x3FB5] =	sst s10  }
0x32: {  	s10 =	sld [smem:$0x3FB3];
	_ =	sdelay $0x3  }
0x33: {  	p0 =	seq.s32 s10, $0x1;
	s10 =	sld [smem:$0x3FB5];
	_ =	sdelay $0x3  }
0x34: {  	[smem:$0x3FB5] =	sst s10  }
0x35: {  	s10 =	sld [smem:$0x3FB4];
	_ =	sdelay $0x3  }
0x36: {  	p1 =	seq.s32 s10, $0x1;
	s10 =	sld [smem:$0x3FB5];
	_ =	sdelay $0x3  }
0x37: {  	[smem:$0x3FB5] =	sst s10  }
0x38: {  	s10 =	sld [smem:$0x3FB6]  }
0x39: {  	_ = 	snop;
	(pc) =	sbr.ind lr, $3  }
0x3a: {  	_ = 	snop  }
0x3b: {  	_ = 	snop  }
0x3c: {  	p2 =	seq.s32 s10, $0x1;
	s10 =	sld [smem:$0x3FB5]  }
0x3d: {  	_ =	shalt  }
0x3e: {  	_ =	shalt  }
0x3f: {  	_ =	shalt  }
0x40: {  	_ =	shalt  }
0x41: {  	_ =	shalt  }
0x42: {  	_ =	shalt  }
0x43: {  	_ =	shalt  }
0x44: {  	_ =	shalt  }
0x45: {  	_ =	shalt  }
0x46: {  	_ =	shalt  }
0x47: {  	_ =	shalt  }
0x48: {  	_ =	shalt  }
0x49: {  	_ =	shalt  }
0x4a: {  	_ =	shalt  }
0x4b: {  	_ =	shalt  }
0x4c: {  	_ =	shalt  }
0x4d: {  	_ =	shalt  }
0x4e: {  	_ =	shalt  }
0x4f: {  	_ =	shalt  }
0x50: {  	_ =	shalt  }
0x51: {  	_ =	shalt  }
0x52: {  	_ =	shalt  }
0x53: {  	_ =	shalt  }
0x54: {  	_ =	shalt  }
0x55: {  	_ =	shalt  }
0x56: {  	_ =	shalt  }
0x57: {  	_ =	shalt  }
0x58: {  	_ =	shalt  }
0x59: {  	_ =	shalt  }
0x5a: {  	_ =	shalt  }
0x5b: {  	_ =	shalt  }
0x5c: {  	_ =	shalt  }
0x5d: {  	_ =	shalt  }
0x5e: {  	_ =	shalt  }
0x5f: {  	_ =	shalt  }
0x60: {  	_ =	shalt  }
0x61: {  	_ =	shalt  }
0x62: {  	_ =	shalt  }
0x63: {  	_ =	shalt  }
0x64: {  	_ =	shalt  }
0x65: {  	_ =	shalt  }
0x66: {  	_ =	shalt  }
0x67: {  	_ =	shalt  }
0x68: {  	_ =	shalt  }
0x69: {  	_ =	shalt  }
0x6a: {  	_ =	shalt  }
0x6b: {  	_ =	shalt  }
0x6c: {  	_ =	shalt  }
0x6d: {  	_ =	shalt  }
0x6e: {  	_ =	shalt  }
0x6f: {  	_ =	shalt  }
0x70: {  	_ =	shalt  }
0x71: {  	_ =	shalt  }
0x72: {  	_ =	shalt  }
0x73: {  	_ =	shalt  }
0x74: {  	_ =	shalt  }
0x75: {  	_ =	shalt  }
0x76: {  	_ =	shalt  }
0x77: {  	_ =	shalt  }
0x78: {  	_ =	shalt  }
0x79: {  	_ =	shalt  }
0x7a: {  	_ =	shalt  }
0x7b: {  	_ =	shalt  }
0x7c: {  	_ =	shalt  }
0x7d: {  	_ =	shalt  }
0x7e: {  	_ =	shalt  }
0x7f: {  	_ =	shalt  }
0x80: {  	_ =	shalt  }
0x81: {  	_ =	shalt  }
0x82: {  	_ =	shalt  }
0x83: {  	_ =	shalt  }
0x84: {  	_ =	shalt  }
0x85: {  	_ =	shalt  }
0x86: {  	_ =	shalt  }
0x87: {  	_ =	shalt  }
.Lfunc_end0:
.L_simem_size_0:
called_computation_lowered:
.L_overlay_start_0:
0x88: {  	s2 =	sld [smem:$0x3FD9]  }
0x89: {  	s3 =	sld [smem:$0x3FFE];
	_ =	sdelay $0x1  }
0x8a: {  	s1 =	srdreg.scid  }
0x8b: {  	s0 =	sand.u32 $0x1, s1  }
0x8c: {  	s17 =	sshll.u32 s0, $0xA;
	s2 =	sadd.s32 s3, s2  }
0x8d: {  	s2 =	sadd.s32 s2, s17  }
0x8e: {  	[smem:$0x3FC1] =	sst s2  }
0x8f: {  	_ = 	snop  }
0x90: {  	s2 =	sld [smem:$0x3FD0];
	(tm) =	ssettm $0x1  }
0x91: {  	s18 =	sld [smem:$0x3FFB];
	_ =	sdelay $0x3  }
0x92: {  	_ =	strace s18  }
0x93: {  	s3 =	sld [smem:$0x3FFC];
	_ =	sdelay $0x3  }
0x94: {  	_ =	strace s3  }
0x95: {  	s3 =	sld [smem:$0x3FFD];
	_ =	sdelay $0x3  }
0x96: {  	_ =	strace s3  }
0x97: {  	_ =	strace $0x8FFFFFFF  }
0x98: {  	s19 =	sld [smem:$0x3FDB];
	_ =	sdelay $0x1  }
0x99: {  	s4 =	simm.s32 $_scs_section_size  }
0x9a: {  	s5 =	simm.s32 $_size__tile_overlayer_lowered;
	s6 =	simm.s32 $_tile_overlayer_lowered  }
0x9b: {  	s22 =	simm.s32 $0x1BFF;
	s21 =	sshll.u32 s6, $0x1;
	s3 =	sadd.s32 s4, s19  }
0x9c: {  	s7 =	simm.s32 $0x0;
	s20 =	sshll.u32 s5, $0x1;
	s5 =	sadd.s32 s21, s3  }
0x9d: {  	[timem:s7], [sflag:s22] =	dma.local [hbm:s5], s20  }
0x9e: {  	_ =	swait.ge [sflag:s22], s20  }
0x9f: {  	s4 =	ssub.s32 $0x0, s20;
	[sflag:s22] =	ssyncset.done $0x0  }
0xa0: {  	[sflag:s22] =	ssyncadd.s32 s4;
	_ =	sdelay $0x1  }
0xa1: {  	s23 =	simm.s32 $0x1B8B  }
0xa2: {  	_ =	swait.ge [sflag:s23], $0x1  }
0xa3: {  	[sflag:s23] =	ssyncset.done $0x0  }
0xa4: {  	s25 =	simm.s32 $0x1B8E;
	s24 =	sld [smem:$0x3FFE];
	[sflag:s23] =	ssyncadd.s32 $0xFFFFFFFF  }
0xa5: {  	s26 =	simm.s32 $execute0_lowered;
	[smem:$0x3FD2] =	sst s25  }
0xa6: {  	s5 =	sshll.u32 s26, $0x1;
	_ =	strace $0x80000046;
	[dreg:$0x1] =	wrdreg $0xFFFFFFFF  }
0xa7: {  	s28 =	simm.s32 $_size_execute0_lowered;
	s3 =	sadd.s32 s3, s5;
	[dreg:$0x0] =	wrdreg $0x0  }
0xa8: {  	s5 =	sshll.u32 s28, $0x1;
	[dreg:$0x2] =	wrdreg s3  }
0xa9: {  	[dreg:$0x3] =	wrdreg s5  }
0xaa: {  	[dreg:$0x4] =	wrdreg $0xC0  }
0xab: {  	_ =	task [dreg:s7], $0x5FFFF  }
0xac: {  	[dreg:$0x1] =	wrdreg $0xFFFFFFFF  }
0xad: {  	[dreg:$0x0] =	wrdreg $0x60  }
0xae: {  	[dreg:$0x2] =	wrdreg s24  }
0xaf: {  	[dreg:$0x3] =	wrdreg s2  }
0xb0: {  	[dreg:$0x4] =	wrdreg $0x9  }
0xb1: {  	_ =	task.clear_ibuf [dreg:s7], $0x5FFFF;
	_ =	strace $0x90000046  }
0xb2: {  	s29 =	simm.s32 $0x9;
	_ =	strace $0x80000048  }
0xb3: {  	_ =	swait.ge [sflag:s29], $0x1  }
0xb4: {  	[sflag:s29] =	ssyncadd.s32 $0xFFFFFFFF  }
0xb5: {  	_ =	strace $0x90000048  }
0xb6: {  	_ =	sfence  }
0xb7: {  	s30 =	sld [smem:$0x0];
	_ =	sdelay $0x2  }
0xb8: {  	s31 =	sshll.u32 s1, $0xD;
	s1 =	sshrl.u32 s1, $0x2  }
0xb9: {  	s3 =	sand.u32 $0x4000, s31;
	s1 =	sadd.s32 s1, s30  }
0xba: {  	s0 =	sor.u32 s3, s0;
	s1 =	sshll.u32 s1, $0x11  }
0xbb: {  	s0 =	sor.u32 s1, s0  }
0xbc: {  	s0 =	sadd.s32 $0x8F2B, s0  }
0xbd: {  	[sflag:s0] =	ssyncadd.remote.s32 $0x1  }
0xbe: {  	_ =	sfence.sel $0xFFFF  }
0xbf: {  	[dreg:$0x0] =	wrdreg $0xFFFFFFFF;
	(pc) =	sbr.abs _section_cstart, $3  }
0xc0: {  	[dreg:$0x1] =	wrdreg $0xFFFFFFFF  }
0xc1: {  	_ =	task.clear_ibuf [dreg:s7], $0x2FFFF;
	_ =	strace $0x9FFFFFFF  }
0xc2: {  	(tm) =	ssettm $0x7FFFFFFF  }
0xc3: {  	_ =	shalt  }
tec
execute0_lowered:
.L_overlay_start_1:
0x0: {  	(tag) =	ssettag $0x1  }
0x1: {  	s0 =	rddreg [dreg:$0x0];
	s1 =	simm.s32 $0x0  }
0x2: {  	s30 =	srdreg.scid;
	s10 =	stileid.u32;
	s13 =	simm.s32 $0x2  }
0x3: {  	s14 =	simm.s32 $0x140;
	s15 =	simm.s32 $0x280;
	s17 =	simm.s32 $0x40  }
0x4: {  	s16 =	simm.s32 $0x340;
	s18 =	simm.s32 $0xD3C0;
	s19 =	simm.s32 $0x100  }
0x5: {  	s20 =	simm.s32 $0x43C0;
	s21 =	simm.s32 $0x240;
	s22 =	simm.s32 $0x93C0  }
0x6: {  	s23 =	simm.s32 $0x380;
	s24 =	simm.s32 $0xE3C0;
	s25 =	simm.s32 $0x1  }
0x7: {  	s26 =	simm.s32 $0xF3C0;
	[smem:$0x7FF] =	sst s1;
	s3 =	sadd.s32 $0x3F400, s0  }
0x8: {  	s4 =	sadd.s32 $0x20000, s0;
	s6 =	sadd.s32 $0xC00, s0;
	s1 =	sand.u32 $0x1, s30  }
0x9: {  	s7 =	sadd.s32 $0x76800, s0;
	s8 =	sadd.s32 $0x6E800, s0;
	s2 =	ssub.s32 $0x2, s1  }
0xa: {  	s9 =	sadd.s32 $0x66800, s0;
	s11 =	sshll.u32 s10, $0x1;
	s5 =	sshrl.u32 s2, $0x1  }
0xb: {  	s10 =	sadd.s32 $0x5E800, s0;
	s1 =	sor.u32 s1, s11;
	s31 =	ssub.s32 s2, s5  }
0xc: {  	_ =	strace $0x80000047;
	s11 =	smul.u32 $0x640, s1;
	s0 =	smax.u32 s31, $0x1  }
0xd: {  	s1 =	simm.s32 $0x0;
	s2 =	simm.s32 $0x83C0;
	[dreg:$0x3] =	wrdreg s0  }
.LBB2_1:
0xe: {  	[dreg:$0x4] =	wrdreg s1;
	s28 =	simm.s32 $0x0  }
.LBB2_2:
0xf: {  	s0 =	sshll.u32 s28, $0x4  }
0x10: {  	s29 =	sadd.s32 s11, s0  }
0x11: {  	s0 =	smul.u32 $0x14, s29;
	_ =	sdelay $0x1  }
0x12: {  	s0 =	sshrl.u32 s0, $0x3  }
0x13: {  	s30 =	simm.s32 $0x0;
	s1 =	sadd.s32 s3, s0  }
0x14: {  	[tilespmem:s30], [sflag:$0x2] =	stream.linear.gather [hbm4b:s1+s30], $0x140, $0x38;
	[tilespmem:$0xF7D0] =	vst v63  }
0x15: {  	_ =	swait.ge [sflag:s13], $0x140  }
0x16: {  	[sflag:s13] =	ssyncset.done $0x0  }
0x17: {  	s12 =	sadd.s32 s4, s0;
	[sflag:s13] =	ssyncadd.s32 $0xFFFFFEC0  }
0x18: {  	[tilespmem:s14], [sflag:$0x2] =	stream.linear.gather [hbm4b:s12+s30], $0x140, $0x38;
	[tilespmem:$0xF7D0] =	vst v63  }
0x19: {  	_ =	swait.ge [sflag:s13], $0x140  }
0x1a: {  	[sflag:s13] =	ssyncset.done $0x0  }
0x1b: {  	s0 =	sadd.s32 s6, s0;
	[sflag:s13] =	ssyncadd.s32 $0xFFFFFEC0  }
0x1c: {  	[tilespmem:s15], [sflag:$0x2] =	stream.linear.gather [hbm4b:s0+s30], $0x140, $0x38;
	[tilespmem:$0xF7D0] =	vst v63  }
0x1d: {  	_ =	swait.ge [sflag:s13], $0x140  }
0x1e: {  	s5 =	sshrl.u32 s29, $0x3;
	[sflag:s13] =	ssyncset.done $0x0  }
0x1f: {  	s12 =	simm.s32 $0xF7C0;
	s0 =	sadd.s32 s7, s5;
	[sflag:s13] =	ssyncadd.s32 $0xFFFFFEC0  }
0x20: {  	[tilespmem:s12], [sflag:$0x2] =	stream.linear.gather [hbm4b:s0+s30], $0x10, $0x38;
	[tilespmem:$0xF7D0] =	vst v63  }
0x21: {  	_ =	swait.ge [sflag:s13], $0x10  }
0x22: {  	[sflag:s13] =	ssyncset.done $0x0  }
0x23: {  	s1 =	simm.s32 $0x3C0;
	[sflag:s13] =	ssyncadd.s32 $0xFFFFFFF0  }
0x24: {  	[tilespmem:s1], [sflag:$0x1] =	stream.indirect.gather [hbm4b:s8+s17], $0x40, s30, s17, $0xb8;
	[tilespmem:$0xF7D0] =	vst v63  }
0x25: {  	s5 =	simm.s32 $0x53C0  }
0x26: {  	[tilespmem:s5], [sflag:$0x1] =	stream.indirect.gather [hbm4b:s9+s17], $0x40, s14, s17, $0xb8;
	[tilespmem:$0xF7D0] =	vst v63  }
0x27: {  	s12 =	simm.s32 $0xA3C0  }
0x28: {  	[tilespmem:s12], [sflag:$0x1] =	stream.indirect.gather [hbm4b:s10+s17], $0x40, s15, s17, $0xb8;
	[tilespmem:$0xF7D0] =	vst v63  }
0x29: {  	s1 =	simm.s32 $0x13C0  }
0x2a: {  	[tilespmem:s1], [sflag:$0x1] =	stream.indirect.gather [hbm4b:s8+s17], $0x40, s17, s17, $0xb8;
	[tilespmem:$0xF7D0] =	vst v63  }
0x2b: {  	s5 =	simm.s32 $0x180;
	s12 =	simm.s32 $0x63C0  }
0x2c: {  	[tilespmem:s12], [sflag:$0x1] =	stream.indirect.gather [hbm4b:s9+s17], $0x40, s5, s17, $0xb8;
	[tilespmem:$0xF7D0] =	vst v63  }
0x2d: {  	s5 =	simm.s32 $0x2C0;
	s12 =	simm.s32 $0xB3C0  }
0x2e: {  	[tilespmem:s12], [sflag:$0x1] =	stream.indirect.gather [hbm4b:s10+s17], $0x40, s5, s17, $0xb8;
	[tilespmem:$0xF7D0] =	vst v63  }
0x2f: {  	s5 =	simm.s32 $0x80;
	s12 =	simm.s32 $0x23C0  }
0x30: {  	[tilespmem:s12], [sflag:$0x1] =	stream.indirect.gather [hbm4b:s8+s17], $0x40, s5, s17, $0xb8;
	[tilespmem:$0xF7D0] =	vst v63  }
0x31: {  	s5 =	simm.s32 $0x1C0;
	s12 =	simm.s32 $0x73C0  }
0x32: {  	[tilespmem:s12], [sflag:$0x1] =	stream.indirect.gather [hbm4b:s9+s17], $0x40, s5, s17, $0xb8;
	[tilespmem:$0xF7D0] =	vst v63  }
0x33: {  	s5 =	simm.s32 $0x300;
	s12 =	simm.s32 $0xC3C0  }
0x34: {  	[tilespmem:s12], [sflag:$0x1] =	stream.indirect.gather [hbm4b:s10+s17], $0x40, s5, s17, $0xb8;
	[tilespmem:$0xF7D0] =	vst v63  }
0x35: {  	s1 =	simm.s32 $0xC0;
	s5 =	simm.s32 $0x33C0  }
0x36: {  	[tilespmem:s5], [sflag:$0x1] =	stream.indirect.gather [hbm4b:s8+s17], $0x40, s1, s17, $0xb8;
	[tilespmem:$0xF7D0] =	vst v63  }
0x37: {  	s12 =	simm.s32 $0x200  }
0x38: {  	[tilespmem:s2], [sflag:$0x1] =	stream.indirect.gather [hbm4b:s9+s17], $0x40, s12, s17, $0xb8;
	[tilespmem:$0xF7D0] =	vst v63  }
0x39: {  	_ = 	snop  }
0x3a: {  	[tilespmem:s18], [sflag:$0x1] =	stream.indirect.gather [hbm4b:s10+s17], $0x40, s16, s17, $0xb8;
	[tilespmem:$0xF7D0] =	vst v63  }
0x3b: {  	_ = 	snop  }
0x3c: {  	[tilespmem:s20], [sflag:$0x1] =	stream.indirect.gather [hbm4b:s8+s17], $0x40, s19, s17, $0xb8;
	[tilespmem:$0xF7D0] =	vst v63  }
0x3d: {  	_ = 	snop  }
0x3e: {  	[tilespmem:s22], [sflag:$0x1] =	stream.indirect.gather [hbm4b:s9+s17], $0x40, s21, s17, $0xb8;
	[tilespmem:$0xF7D0] =	vst v63  }
0x3f: {  	_ = 	snop  }
0x40: {  	[tilespmem:s24], [sflag:$0x1] =	stream.indirect.gather [hbm4b:s10+s17], $0x40, s23, s17, $0xb8;
	[tilespmem:$0xF7D0] =	vst v63  }
0x41: {  	_ =	swait.ge [sflag:s25], $0x1000  }
0x42: {  	[sflag:s25] =	ssyncset.done $0x0  }
0x43: {  	[sflag:s25] =	ssyncadd.s32 $0xFFFFF000  }
0x44: {  	_ =	swait.ge [sflag:s25], $0x1000  }
0x45: {  	[sflag:s25] =	ssyncset.done $0x0  }
0x46: {  	[sflag:s25] =	ssyncadd.s32 $0xFFFFF000  }
0x47: {  	_ =	swait.ge [sflag:s25], $0x1000  }
0x48: {  	[sflag:s25] =	ssyncset.done $0x0  }
0x49: {  	[sflag:s25] =	ssyncadd.s32 $0xFFFFF000  }
0x4a: {  	_ =	swait.ge [sflag:s25], $0x1000  }
0x4b: {  	[sflag:s25] =	ssyncset.done $0x0  }
0x4c: {  	[sflag:s25] =	ssyncadd.s32 $0xFFFFF000  }
0x4d: {  	_ =	swait.ge [sflag:s25], $0x1000  }
0x4e: {  	[sflag:s25] =	ssyncset.done $0x0  }
0x4f: {  	[sflag:s25] =	ssyncadd.s32 $0xFFFFF000  }
0x50: {  	_ =	swait.ge [sflag:s25], $0x1000  }
0x51: {  	[sflag:s25] =	ssyncset.done $0x0  }
0x52: {  	[sflag:s25] =	ssyncadd.s32 $0xFFFFF000  }
0x53: {  	_ =	swait.ge [sflag:s25], $0x1000  }
0x54: {  	[sflag:s25] =	ssyncset.done $0x0  }
0x55: {  	[sflag:s25] =	ssyncadd.s32 $0xFFFFF000  }
0x56: {  	_ =	swait.ge [sflag:s25], $0x1000  }
0x57: {  	[sflag:s25] =	ssyncset.done $0x0  }
0x58: {  	[sflag:s25] =	ssyncadd.s32 $0xFFFFF000  }
0x59: {  	_ =	swait.ge [sflag:s25], $0x1000  }
0x5a: {  	[sflag:s25] =	ssyncset.done $0x0  }
0x5b: {  	[sflag:s25] =	ssyncadd.s32 $0xFFFFF000  }
0x5c: {  	_ =	swait.ge [sflag:s25], $0x1000  }
0x5d: {  	[sflag:s25] =	ssyncset.done $0x0  }
0x5e: {  	[sflag:s25] =	ssyncadd.s32 $0xFFFFF000  }
0x5f: {  	_ =	swait.ge [sflag:s25], $0x1000  }
0x60: {  	[sflag:s25] =	ssyncset.done $0x0  }
0x61: {  	[sflag:s25] =	ssyncadd.s32 $0xFFFFF000  }
0x62: {  	_ =	swait.ge [sflag:s25], $0x1000  }
0x63: {  	[sflag:s25] =	ssyncset.done $0x0  }
0x64: {  	[sflag:s25] =	ssyncadd.s32 $0xFFFFF000  }
0x65: {  	_ =	swait.ge [sflag:s25], $0x1000  }
0x66: {  	[sflag:s25] =	ssyncset.done $0x0  }
0x67: {  	[sflag:s25] =	ssyncadd.s32 $0xFFFFF000  }
0x68: {  	_ =	swait.ge [sflag:s25], $0x1000  }
0x69: {  	[sflag:s25] =	ssyncset.done $0x0  }
0x6a: {  	[sflag:s25] =	ssyncadd.s32 $0xFFFFF000  }
0x6b: {  	_ =	swait.ge [sflag:s25], $0x1000  }
0x6c: {  	s31 =	simm.s32 $0x3E0;
	[sflag:s25] =	ssyncset.done $0x0  }
0x6d: {  	s0 =	simm.s32 $0x53F0;
	s5 =	simm.s32 $0xA3F0;
	[sflag:s25] =	ssyncadd.s32 $0xFFFFF000  }
.LBB2_3:
0x6e: {  	v0 =	vmov s5;
	_ =	sdelay $0x1  }
0x6f: {  	v1 =	vmov s0;
	_ =	sdelay $0x1  }
0x70: {  	v5 =	vmov s31;
	s12 =	simm.s32 $0x0  }
0x71: {  	v4 =	vld.idx.msk [tilespmem:v0+s12+$0xFFFFFFD0 ss:$0x1], $0xffff  }
0x72: {  	v6 =	vld.idx.msk [tilespmem:v0+s12+$0xFFFFFFE0 ss:$0x1], $0xffff  }
0x73: {  	v2 =	vld.idx.msk [tilespmem:v1+s12+$0xFFFFFFD0 ss:$0x1], $0xffff  }
0x74: {  	v3 =	vld.idx.msk [tilespmem:v1+s12+$0xFFFFFFE0 ss:$0x1], $0xffff  }
0x75: {  	v7 =	vld.idx.msk [tilespmem:v5+s12+$0xFFFFFFE0 ss:$0x1], $0xffff  }
0x76: {  	v8 =	vimm.f32 $0.0e+00;
	v10 =	vld.idx.msk [tilespmem:v5+s12+$0xFFFFFFF0 ss:$0x1], $0xffff  }
0x77: {  	s1 =	simm.s32 $0x100;
	v13 =	vimm.f32 $0.0e+00;
	v11 =	vimm.f32 $0.0e+00;
	v9 =	vimm.f32 $0.0e+00;
	v12 =	vld.idx.msk [tilespmem:v5+s12+$0x0 ss:$0x1], $0xffff  }
.LBB2_4:
0x78: {  	p0 =	sne.s32 s1, $0x1300;
	v14 =	vld.idx.msk [tilespmem:v5+s12+$0x10 ss:$0x1], $0xffff;
	v15 =	vmov v6  }
0x79: {  	v16 =	vld.idx.msk [tilespmem:v1+s12+$0xFFFFFFF0 ss:$0x1], $0xffff  }
0x7a: {  	v17 =	vld.idx.msk [tilespmem:v1+s12+$0x0 ss:$0x1], $0xffff  }
0x7b: {  	v18 =	vld.idx.msk [tilespmem:v0+s12+$0xFFFFFFF0 ss:$0x1], $0xffff  }
0x7c: {  	v19 =	vld.idx.msk [tilespmem:v0+s12+$0x0 ss:$0x1], $0xffff;
	s12 =	sshra.s32 s1, $0x2  }
0x7d: {  	v7 =	vadd.f32 v7, v8;
	v8 =	vadd.f32 v10, v13;
	v20 =	vld.idx.msk [tilespmem:v0+s12+$0xFFFFFFD0 ss:$0x1], $0xffff  }
0x7e: {  	v10 =	vadd.f32 v12, v11;
	v9 =	vadd.f32 v14, v9;
	v6 =	vld.idx.msk [tilespmem:v0+s12+$0xFFFFFFE0 ss:$0x1], $0xffff  }
.Ltmp0:
0x7f: {  	v11 =	vadd.f32 v2, v7;
	v12 =	vadd.f32 v3, v8;
	v2 =	vld.idx.msk [tilespmem:v1+s12+$0xFFFFFFD0 ss:$0x1], $0xffff;
	(pc) =	sbr.rel @p0 .LBB2_4-.Ltmp0, $4  }
0x80: {  	v14 =	vadd.f32 v16, v10;
	v9 =	vadd.f32 v17, v9;
	v3 =	vld.idx.msk [tilespmem:v1+s12+$0xFFFFFFE0 ss:$0x1], $0xffff  }
0x81: {  	v8 =	vadd.f32 v4, v11;
	v13 =	vadd.f32 v15, v12;
	v7 =	vld.idx.msk [tilespmem:v5+s12+$0xFFFFFFE0 ss:$0x1], $0xffff  }
0x82: {  	v11 =	vadd.f32 v18, v14;
	v9 =	vadd.f32 v19, v9;
	v10 =	vld.idx.msk [tilespmem:v5+s12+$0xFFFFFFF0 ss:$0x1], $0xffff  }
0x83: {  	s1 =	sadd.s32 $0x100, s1;
	v4 =	vmov v20;
	v12 =	vld.idx.msk [tilespmem:v5+s12+$0x0 ss:$0x1], $0xffff  }
0x84: {  	_ =	sdelay $0x3  }
0x85: {  	v5 =	vld.idx.msk [tilespmem:v5+s12+$0x10 ss:$0x1], $0xffff  }
0x86: {  	v14 =	vld.idx.msk [tilespmem:v1+s12+$0xFFFFFFF0 ss:$0x1], $0xffff  }
0x87: {  	v15 =	vld [tilespmem:$0xF7C0]  }
0x88: {  	v55 =	vld.idx.msk [tilespmem:v1+s12+$0x0 ss:$0x1], $0xffff;
	v7 =	vadd.f32 v7, v8  }
0x89: {  	v56 =	vld.idx.msk [tilespmem:v0+s12+$0xFFFFFFF0 ss:$0x1], $0xffff;
	v10 =	vadd.f32 v10, v13  }
0x8a: {  	v57 =	vld.idx.msk [tilespmem:v0+s12+$0x0 ss:$0x1], $0xffff;
	v11 =	vadd.f32 v12, v11;
	v2 =	vadd.f32 v2, v7  }
0x8b: {  	v58 =	vmov s30;
	v5 =	vadd.f32 v5, v9;
	v3 =	vadd.f32 v3, v10  }
0x8c: {  	v60 =	vperm.xlane v15, v58;
	v59 =	vadd.f32 v14, v11;
	v2 =	vadd.f32 v4, v2  }
0x8d: {  	s1 =	sshll.u32 s30, $0x6;
	s30 =	sadd.s32 $0x1, s30;
	v1 =	vadd.f32 v55, v5;
	v3 =	vadd.f32 v6, v3  }
0x8e: {  	p0 =	sne.s32 s30, $0x10;
	v61 =	vadd.f32 v56, v59;
	v2 =	vmul.f32 v60, v2  }
.Ltmp1:
0x8f: {  	s1 =	sand.u32 $0x3FFFFFC0, s1;
	v0 =	vadd.f32 v57, v1;
	v62 =	vmul.f32 v60, v3;
	(pc) =	sbr.rel @p0 .LBB2_3-.Ltmp1, $4  }
0x90: {  	[tilespmem:s1+$0xF3C0] =	vst v2;
	v63 =	vmul.f32 v60, v61  }
0x91: {  	[tilespmem:s1+$0xF3D0] =	vst v62;
	v0 =	vmul.f32 v60, v0  }
0x92: {  	[tilespmem:s1+$0xF3E0] =	vst v63  }
0x93: {  	s31 =	sadd.s32 $0x500, s31;
	s0 =	sadd.s32 $0x500, s0;
	s5 =	sadd.s32 $0x500, s5;
	[tilespmem:s1+$0xF3F0] =	vst v0  }
0x94: {  	s28 =	sadd.s32 $0x1, s28  }
0x95: {  	s0 =	sshll.u32 s29, $0x3;
	s1 =	rddreg [dreg:$0x1];
	p0 =	sne.s32 s28, $0x64  }
.Ltmp2:
0x96: {  	s31 =	simm.s32 $0x0;
	s0 =	sadd.s32 s1, s0;
	(pc) =	sbr.rel @p0 .LBB2_2-.Ltmp2, $4  }
0x97: {  	[hbm4b:s0+s31] =	stream.linear.scatter [tilespmem:s26], [sflag:$0x2], $0x400, $0x38;
	[tilespmem:$0xF7D0] =	vst v63  }
0x98: {  	_ =	swait.ge [sflag:s13], $0x400  }
0x99: {  	[sflag:s13] =	ssyncset.done $0x0  }
0x9a: {  	[sflag:s13] =	ssyncadd.s32 $0xFFFFFC00  }
0x9b: {  	s1 =	rddreg [dreg:$0x4]  }
0x9c: {  	s0 =	rddreg [dreg:$0x3];
	s1 =	sadd.s32 $0x1, s1  }
0x9d: {  	p0 =	sne.s32 s1, s0  }
.Ltmp3:
0x9e: {  	_ = 	snop;
	(pc) =	sbr.rel @p0 .LBB2_1-.Ltmp3, $1  }
0x9f: {  	_ =	sdelay $0x3  }
0xa0: {  	_ =	sfence.sel $0x180000  }
0xa1: {  	[bflag:$0x0] =	sbarrier.arrive $0xFFFF  }
0xa2: {  	_ =	strace $0x90000047  }
0xa3: {  	s0 =	stileid.u32;
	[bflag:$0x2] =	sbarrier.arrive $0xFFFF  }
0xa4: {  	p0 =	sne.s32 s0, $0x0;
	s0 =	rddreg [dreg:$0x2]  }
0xa5: {  	s0 =	sadd.s32 @!p0 $0x100000, s0  }
0xa6: {  	[sflag:s0] =	ssyncadd.tile.s32 @!p0 $0x1;
	_ =	shalt  }
.Lfunc_end2:
_tile_overlayer_lowered:
.L_overlay_start_2:
0xa7: {  	(tag) =	ssettag $0x2  }
0xa8: {  	s0 =	rddreg [dreg:$0x0];
	s2 =	stileid.u32  }
0xa9: {  	s1 =	rddreg [dreg:$0x1];
	p0 =	sne.s32 s2, $0x0  }
0xaa: {  	s3 =	rddreg [dreg:$0x2];
	[bflag:$0x3] =	sbarrier.arrive $0xFFFF;
	s2 =	simm.s32 @!p0 $0x1C02  }
0xab: {  	[timem:s3], [sflag:s2] =	dma.local @!p0 [hbm:s0], s1  }
0xac: {  	s0 =	simm.s32 @!p0 $0x2  }
0xad: {  	_ =	swait.ge @!p0 [sflag:s0], s1  }
0xae: {  	s1 =	ssub.s32 @!p0 $0x0, s1;
	[sflag:s0] =	ssyncset.done @!p0 $0x0  }
0xaf: {  	[sflag:s0] =	ssyncadd.s32 @!p0 s1  }
0xb0: {  	[bflag:$0x3] =	sbarrier.arrive $0xFFFF  }
0xb1: {  	_ =	shalt  }

</sc_bundles>
